<compile_context>
chip_gen: v7x
topology: tpu7x:2x2x1
jax: 0.10.2.dev20260603
libtpu: 0.0.44.dev20260713+nightly
codegen_flags: <defaults>
</compile_context>

<pallas_src>
import functools

import jax
import jax.numpy as jnp
from jax import lax
from jax.experimental import pallas as pl
from jax.experimental.pallas import tpu as pltpu
from jax.experimental.pallas import tpu_sc as plsc

INPUT = 64
HID = 128
BATCH = 4096
SEQ = 200
N_TOK = BATCH * SEQ
CHUNK = 128
N_CHUNKS = N_TOK // CHUNK
NW = 32
CHUNKS_PER_W = N_CHUNKS // NW
RING = 4
N_GROUPS = CHUNKS_PER_W // RING

BB = 64
PAIRS = N_TOK // 2
BPAIR = BB * SEQ // 2

def _sc_gather(table_id, idx2d):
  mesh = plsc.VectorSubcoreMesh(core_axis_name="c", subcore_axis_name="s")

  @functools.partial(
      pl.kernel,
      out_type=jax.ShapeDtypeStruct((N_CHUNKS, CHUNK, INPUT), jnp.float32),
      mesh=mesh,
      scratch_types=[
          pltpu.VMEM((CHUNKS_PER_W, CHUNK), jnp.int32),
          pltpu.VMEM((RING, CHUNK, INPUT), jnp.float32),
          pltpu.SemaphoreType.DMA,
          pltpu.SemaphoreType.DMA,
      ],
      compiler_params=pltpu.CompilerParams(use_tc_tiling_on_sc=False),
  )
  def k(tid_hbm, idx_hbm, oid_hbm, idx_v, bid_v, gsem, wsem):
    wid = lax.axis_index("s") * 2 + lax.axis_index("c")
    base = wid * CHUNKS_PER_W
    pltpu.sync_copy(idx_hbm.at[pl.ds(base, CHUNKS_PER_W)], idx_v)

    def group(g, _):
      @pl.when(g > 0)
      def _():
        for r in range(RING):
          pltpu.make_async_copy(bid_v.at[r], oid_hbm.at[base], wsem).wait()
      handles = []
      for r in range(RING):
        c = g * RING + r
        handles.append(pltpu.make_async_copy(
            tid_hbm.at[idx_v.at[c]], bid_v.at[r], gsem))
      for h in handles:
        h.start()
      for h in handles:
        h.wait()
      for r in range(RING):
        c = g * RING + r
        pltpu.make_async_copy(bid_v.at[r], oid_hbm.at[base + c], wsem).start()
      return 0

    lax.fori_loop(0, N_GROUPS, group, 0)
    for r in range(RING):
      pltpu.make_async_copy(bid_v.at[r], oid_hbm.at[base], wsem).wait()

  return k(table_id, idx2d)


def _tc_proj(gid2, x2, seg2, rp2, wid2b, interpret=False):

  def body(gid_ref, x_ref, seg_ref, rp_ref, wid_ref, o_ref):
    h = jnp.dot(gid_ref[...], wid_ref[...],
                preferred_element_type=jnp.float32)
    j16 = lax.broadcasted_iota(jnp.int32, (BPAIR, 16), 1)
    tgt = jnp.where(j16 < 8, x_ref[:, 0:1], x_ref[:, 1:2] + 8)
    oh = (j16 == tgt).astype(jnp.float32)
    h = h + jnp.dot(oh, rp_ref[...],
                    preferred_element_type=jnp.float32)
    h = jnp.maximum(h, 0.0)
    hsum = h[:, :HID] + h[:, HID:]
    o_ref[...] = jnp.dot(seg_ref[...], hsum,
                         preferred_element_type=jnp.float32)

  return pl.pallas_call(
      body,
      grid=(BATCH // BB,),
      in_specs=[
          pl.BlockSpec((BPAIR, 2 * INPUT), lambda i: (i, 0)),
          pl.BlockSpec((BPAIR, 2), lambda i: (i, 0)),
          pl.BlockSpec((BB, BPAIR), lambda i: (0, 0)),
          pl.BlockSpec((16, 2 * HID), lambda i: (0, 0)),
          pl.BlockSpec((2 * INPUT, 2 * HID), lambda i: (0, 0)),
      ],
      out_specs=pl.BlockSpec((BB, HID), lambda i: (i, 0)),
      out_shape=jax.ShapeDtypeStruct((BATCH, HID), jnp.float32),
      interpret=interpret,
  )(gid2, x2, seg2, rp2, wid2b)


def kernel(x, ids, ratings_emd, id_emd, W, b):
  wrt_t = W[:, :INPUT].T
  wid_t = W[:, INPUT:].T
  zz = jnp.zeros((INPUT, HID), jnp.float32)
  wid2b = jnp.block([[wid_t, zz], [zz, wid_t]])
  rp = ratings_emd @ wrt_t + b[None, :]
  rp2 = jnp.zeros((16, 2 * HID), jnp.float32)
  rp2 = rp2.at[0:6, :HID].set(rp).at[8:14, HID:].set(rp)
  seg2 = (lax.broadcasted_iota(jnp.int32, (BB, BPAIR), 1) // (SEQ // 2) ==
          lax.broadcasted_iota(jnp.int32, (BB, BPAIR), 0)
          ).astype(jnp.float32) * (1.0 / SEQ)
  idx2d = ids.reshape(N_CHUNKS, CHUNK)
  gid = _sc_gather(id_emd, idx2d)
  gid2 = gid.reshape(PAIRS, 2 * INPUT)
  x2 = x.reshape(PAIRS, 2)
  return _tc_proj(gid2, x2, seg2, rp2, wid2b)

# --- scband reference (transcript-rebuilt; emitter-appended) ---
"""Pipeline reference for scband-feature-extractor-43705587204338 (READ-ONLY COPY).

The authoritative reference and input builder live on the scoring server;
editing this copy changes nothing except your own understanding.
"""

import jax, jax.numpy as jnp
import numpy as np

INPUT_SIZE = 64
NUM_RATINGS = 5
HIDDEN_SIZE = 128
NUM_UI = 1000000
B = 4096
L = 200

def setup_inputs(seed: int = 0) -> dict:
    key = jax.random.key(seed)
    k1, k2, k3, k4, k5, k6 = jax.random.split(key, 6)
    x = jax.random.randint(k1, (B, L), 0, NUM_RATINGS + 1, dtype=jnp.int64 if jax.config.jax_enable_x64 else jnp.int32).astype(jnp.int32)
    ids = jax.random.randint(k2, (B, L), 0, NUM_UI + 1, dtype=jnp.int32)
    # xavier_normal-ish init for embedding tables
    std_r = float(np.sqrt(2.0 / (NUM_RATINGS + 1 + INPUT_SIZE)))
    std_i = float(np.sqrt(2.0 / (NUM_UI + 1 + INPUT_SIZE)))
    ratings_emd = jax.random.normal(k3, (NUM_RATINGS + 1, INPUT_SIZE), dtype=jnp.float32) * std_r
    id_emd = jax.random.normal(k4, (NUM_UI + 1, INPUT_SIZE), dtype=jnp.float32) * std_i
    # Linear(input_size*2 -> hidden_size): weight [hidden, 2*input], bias [hidden]
    bound = float(1.0 / np.sqrt(2 * INPUT_SIZE))
    W = jax.random.uniform(k5, (HIDDEN_SIZE, 2 * INPUT_SIZE), minval=-bound, maxval=bound, dtype=jnp.float32)
    b = jax.random.uniform(k6, (HIDDEN_SIZE,), minval=-bound, maxval=bound, dtype=jnp.float32)
    return {"x": x, "ids": ids, "ratings_emd": ratings_emd, "id_emd": id_emd, "W": W, "b": b}

def reference(x, ids, ratings_emd, id_emd, W, b):
    # x = self.ratings_emd[x, :]
    emb_r = jnp.take(ratings_emd, x, axis=0)          # [B, L, input_size]
    # x_ids = self.id_emd[ids, :]
    emb_id = jnp.take(id_emd, ids, axis=0)            # [B, L, input_size]
    # x_all = cat((x, x_ids), dim=2)
    x_all = jnp.concatenate([emb_r, emb_id], axis=2)  # [B, L, 2*input_size]
    # projection_layer: Linear + ReLU
    out = jnp.maximum(jnp.einsum('bld,hd->blh', x_all, W) + b, 0.0)  # [B, L, hidden]
    # mean over sequence axis
    out = jnp.mean(out, axis=1)                        # [B, hidden]
    return out

if __name__ == "__main__":
    import jax
    _d = setup_inputs()
    print(jax.jit(kernel)(*tuple(_d.values())))

</pallas_src>

<mosaic_0001>
#map = affine_map<(d0, d1) -> (0, 0)>
#map1 = affine_map<(d0, d1) -> (0, 0, 0)>
module attributes {stable_mosaic.version = 14 : i64} {
  func.func @k(%arg0: i32, %arg1: i32, %arg2: memref<1000001x64xf32, #tpu.memory_space<hbm>>, %arg3: memref<6400x128xi32, #tpu.memory_space<hbm>>, %arg4: memref<6400x128x64xf32, #tpu.memory_space<hbm>>, %arg5: memref<200x128xi32, #tpu.memory_space<vmem>>, %arg6: memref<4x128x64xf32, #tpu.memory_space<vmem>>, %arg7: memref<!tpu.dma_semaphore, #tpu.memory_space<semaphore_mem>>, %arg8: memref<!tpu.dma_semaphore, #tpu.memory_space<semaphore_mem>>) attributes {dimension_semantics = [#tpu.dimension_semantics<core_parallel>, #tpu.dimension_semantics<subcore_parallel>], iteration_bounds = array<i64: 2, 16>, scalar_prefetch = 0 : i64, scratch_operands = 4 : i64, tpu.core_type = #tpu.core_type<sc_vector_subcore>, window_params = [{transform_indices = #map}, {transform_indices = #map}, {transform_indices = #map1}]} {
    %mul3A = arith.constant 2 : i32
    %mul3A_0 = arith.muli %arg1, %mul3A : i32
    %add3A = arith.addi %mul3A_0, %arg0 : i32
    %mul3A_1 = arith.constant 200 : i32
    %mul3A_2 = arith.muli %add3A, %mul3A_1 : i32
    "tpu.region"() ({
      %run_scoped3A = tpu.sem_alloc : memref<!tpu.dma_semaphore, #tpu.memory_space<semaphore_mem>>
      %dma_start3A = arith.constant 0 : i32
      %dma_start3A_76 = tpu.memref_slice %arg3[%mul3A_2, %dma_start3A] : memref<6400x128xi32, #tpu.memory_space<hbm>> -> memref<200x128xi32, #tpu.memory_space<hbm>>
      %dma_start3A_77 = arith.constant 0 : i32
      %dma_start3A_78 = tpu.memref_slice %arg3[%mul3A_2, %dma_start3A_77] : memref<6400x128xi32, #tpu.memory_space<hbm>> -> memref<200x128xi32, #tpu.memory_space<hbm>>
      tpu.enqueue_dma source(%dma_start3A_78 : memref<200x128xi32, #tpu.memory_space<hbm>>) target(%arg5 : memref<200x128xi32, #tpu.memory_space<vmem>>) target_semaphore(%run_scoped3A : memref<!tpu.dma_semaphore, #tpu.memory_space<semaphore_mem>>)
      %dma_wait3A_79 = arith.constant 0 : i32
      %dma_wait3A_80 = tpu.memref_slice %arg3[%mul3A_2, %dma_wait3A_79] : memref<6400x128xi32, #tpu.memory_space<hbm>> -> memref<200x128xi32, #tpu.memory_space<hbm>>
      %dma_wait3A_81 = arith.constant 0 : i32
      %dma_wait3A_82 = tpu.memref_slice %arg3[%mul3A_2, %dma_wait3A_81] : memref<6400x128xi32, #tpu.memory_space<hbm>> -> memref<200x128xi32, #tpu.memory_space<hbm>>
      tpu.wait_dma2 semaphore(%run_scoped3A : memref<!tpu.dma_semaphore, #tpu.memory_space<semaphore_mem>>) src(%dma_wait3A_82 : memref<200x128xi32, #tpu.memory_space<hbm>>) dst(%arg5 : memref<200x128xi32, #tpu.memory_space<vmem>>)
      tpu.yield
    }) : () -> ()
    %scan3A = arith.constant 0 : i32
    %scan3A_3 = arith.constant 0 : i32
    %scan3A_4 = arith.constant 50 : i32
    %scan3A_5 = arith.addi %scan3A_3, %scan3A_4 : i32
    %scan3A_6 = arith.constant 1 : i32
    %scan3A_7 = scf.for %scan3A_76 = %scan3A_3 to %scan3A_5 step %scan3A_6 iter_args(%scan3A_77 = %scan3A) -> (i32)  : i32 {
      %gt3A = arith.constant 0 : i32
      %gt3A_78 = arith.cmpi sgt, %scan3A_76, %gt3A : i32
      %convert_element_type3A = arith.extui %gt3A_78 : i1 to i32
      %cond3A = arith.constant 0 : i32
      %cond3A_79 = arith.cmpi ne, %convert_element_type3A, %cond3A : i32
      scf.if %cond3A_79 {
        %dma_wait3A_272 = arith.constant 0 : i32
        %dma_wait3A_273 = arith.constant 0 : i32
        %dma_wait3A_274 = arith.constant 0 : i32
        %dma_wait3A_275 = tpu.memref_slice %arg6[%dma_wait3A_272, %dma_wait3A_273, %dma_wait3A_274] : memref<4x128x64xf32, #tpu.memory_space<vmem>> -> memref<1x128x64xf32, #tpu.memory_space<vmem>>
        %dma_wait3A_276 = tpu.memref_squeeze %dma_wait3A_275 : memref<1x128x64xf32, #tpu.memory_space<vmem>> -> memref<128x64xf32, #tpu.memory_space<vmem>>
        %dma_wait3A_277 = arith.constant 0 : i32
        %dma_wait3A_278 = arith.constant 0 : i32
        %dma_wait3A_279 = tpu.memref_slice %arg4[%mul3A_2, %dma_wait3A_277, %dma_wait3A_278] : memref<6400x128x64xf32, #tpu.memory_space<hbm>> -> memref<1x128x64xf32, #tpu.memory_space<hbm>>
        %dma_wait3A_280 = tpu.memref_squeeze %dma_wait3A_279 : memref<1x128x64xf32, #tpu.memory_space<hbm>> -> memref<128x64xf32, #tpu.memory_space<hbm>>
        %dma_wait3A_281 = arith.constant 0 : i32
        %dma_wait3A_282 = arith.constant 0 : i32
        %dma_wait3A_283 = tpu.memref_slice %arg4[%mul3A_2, %dma_wait3A_281, %dma_wait3A_282] : memref<6400x128x64xf32, #tpu.memory_space<hbm>> -> memref<1x128x64xf32, #tpu.memory_space<hbm>>
        %dma_wait3A_284 = tpu.memref_squeeze %dma_wait3A_283 : memref<1x128x64xf32, #tpu.memory_space<hbm>> -> memref<128x64xf32, #tpu.memory_space<hbm>>
        %dma_wait3A_285 = arith.constant 0 : i32
        %dma_wait3A_286 = arith.constant 0 : i32
        %dma_wait3A_287 = tpu.memref_slice %arg6[%dma_wait3A_272, %dma_wait3A_285, %dma_wait3A_286] : memref<4x128x64xf32, #tpu.memory_space<vmem>> -> memref<1x128x64xf32, #tpu.memory_space<vmem>>
        %dma_wait3A_288 = tpu.memref_squeeze %dma_wait3A_287 : memref<1x128x64xf32, #tpu.memory_space<vmem>> -> memref<128x64xf32, #tpu.memory_space<vmem>>
        tpu.wait_dma2 semaphore(%arg8 : memref<!tpu.dma_semaphore, #tpu.memory_space<semaphore_mem>>) src(%dma_wait3A_288 : memref<128x64xf32, #tpu.memory_space<vmem>>) dst(%dma_wait3A_284 : memref<128x64xf32, #tpu.memory_space<hbm>>)
        %dma_wait3A_289 = arith.constant 1 : i32
        %dma_wait3A_290 = arith.constant 0 : i32
        %dma_wait3A_291 = arith.constant 0 : i32
        %dma_wait3A_292 = tpu.memref_slice %arg6[%dma_wait3A_289, %dma_wait3A_290, %dma_wait3A_291] : memref<4x128x64xf32, #tpu.memory_space<vmem>> -> memref<1x128x64xf32, #tpu.memory_space<vmem>>
        %dma_wait3A_293 = tpu.memref_squeeze %dma_wait3A_292 : memref<1x128x64xf32, #tpu.memory_space<vmem>> -> memref<128x64xf32, #tpu.memory_space<vmem>>
        %dma_wait3A_294 = arith.constant 0 : i32
        %dma_wait3A_295 = arith.constant 0 : i32
        %dma_wait3A_296 = tpu.memref_slice %arg4[%mul3A_2, %dma_wait3A_294, %dma_wait3A_295] : memref<6400x128x64xf32, #tpu.memory_space<hbm>> -> memref<1x128x64xf32, #tpu.memory_space<hbm>>
        %dma_wait3A_297 = tpu.memref_squeeze %dma_wait3A_296 : memref<1x128x64xf32, #tpu.memory_space<hbm>> -> memref<128x64xf32, #tpu.memory_space<hbm>>
        %dma_wait3A_298 = arith.constant 0 : i32
        %dma_wait3A_299 = arith.constant 0 : i32
        %dma_wait3A_300 = tpu.memref_slice %arg4[%mul3A_2, %dma_wait3A_298, %dma_wait3A_299] : memref<6400x128x64xf32, #tpu.memory_space<hbm>> -> memref<1x128x64xf32, #tpu.memory_space<hbm>>
        %dma_wait3A_301 = tpu.memref_squeeze %dma_wait3A_300 : memref<1x128x64xf32, #tpu.memory_space<hbm>> -> memref<128x64xf32, #tpu.memory_space<hbm>>
        %dma_wait3A_302 = arith.constant 0 : i32
        %dma_wait3A_303 = arith.constant 0 : i32
        %dma_wait3A_304 = tpu.memref_slice %arg6[%dma_wait3A_289, %dma_wait3A_302, %dma_wait3A_303] : memref<4x128x64xf32, #tpu.memory_space<vmem>> -> memref<1x128x64xf32, #tpu.memory_space<vmem>>
        %dma_wait3A_305 = tpu.memref_squeeze %dma_wait3A_304 : memref<1x128x64xf32, #tpu.memory_space<vmem>> -> memref<128x64xf32, #tpu.memory_space<vmem>>
        tpu.wait_dma2 semaphore(%arg8 : memref<!tpu.dma_semaphore, #tpu.memory_space<semaphore_mem>>) src(%dma_wait3A_305 : memref<128x64xf32, #tpu.memory_space<vmem>>) dst(%dma_wait3A_301 : memref<128x64xf32, #tpu.memory_space<hbm>>)
        %dma_wait3A_306 = arith.constant 2 : i32
        %dma_wait3A_307 = arith.constant 0 : i32
        %dma_wait3A_308 = arith.constant 0 : i32
        %dma_wait3A_309 = tpu.memref_slice %arg6[%dma_wait3A_306, %dma_wait3A_307, %dma_wait3A_308] : memref<4x128x64xf32, #tpu.memory_space<vmem>> -> memref<1x128x64xf32, #tpu.memory_space<vmem>>
        %dma_wait3A_310 = tpu.memref_squeeze %dma_wait3A_309 : memref<1x128x64xf32, #tpu.memory_space<vmem>> -> memref<128x64xf32, #tpu.memory_space<vmem>>
        %dma_wait3A_311 = arith.constant 0 : i32
        %dma_wait3A_312 = arith.constant 0 : i32
        %dma_wait3A_313 = tpu.memref_slice %arg4[%mul3A_2, %dma_wait3A_311, %dma_wait3A_312] : memref<6400x128x64xf32, #tpu.memory_space<hbm>> -> memref<1x128x64xf32, #tpu.memory_space<hbm>>
        %dma_wait3A_314 = tpu.memref_squeeze %dma_wait3A_313 : memref<1x128x64xf32, #tpu.memory_space<hbm>> -> memref<128x64xf32, #tpu.memory_space<hbm>>
        %dma_wait3A_315 = arith.constant 0 : i32
        %dma_wait3A_316 = arith.constant 0 : i32
        %dma_wait3A_317 = tpu.memref_slice %arg4[%mul3A_2, %dma_wait3A_315, %dma_wait3A_316] : memref<6400x128x64xf32, #tpu.memory_space<hbm>> -> memref<1x128x64xf32, #tpu.memory_space<hbm>>
        %dma_wait3A_318 = tpu.memref_squeeze %dma_wait3A_317 : memref<1x128x64xf32, #tpu.memory_space<hbm>> -> memref<128x64xf32, #tpu.memory_space<hbm>>
        %dma_wait3A_319 = arith.constant 0 : i32
        %dma_wait3A_320 = arith.constant 0 : i32
        %dma_wait3A_321 = tpu.memref_slice %arg6[%dma_wait3A_306, %dma_wait3A_319, %dma_wait3A_320] : memref<4x128x64xf32, #tpu.memory_space<vmem>> -> memref<1x128x64xf32, #tpu.memory_space<vmem>>
        %dma_wait3A_322 = tpu.memref_squeeze %dma_wait3A_321 : memref<1x128x64xf32, #tpu.memory_space<vmem>> -> memref<128x64xf32, #tpu.memory_space<vmem>>
        tpu.wait_dma2 semaphore(%arg8 : memref<!tpu.dma_semaphore, #tpu.memory_space<semaphore_mem>>) src(%dma_wait3A_322 : memref<128x64xf32, #tpu.memory_space<vmem>>) dst(%dma_wait3A_318 : memref<128x64xf32, #tpu.memory_space<hbm>>)
        %dma_wait3A_323 = arith.constant 3 : i32
        %dma_wait3A_324 = arith.constant 0 : i32
        %dma_wait3A_325 = arith.constant 0 : i32
        %dma_wait3A_326 = tpu.memref_slice %arg6[%dma_wait3A_323, %dma_wait3A_324, %dma_wait3A_325] : memref<4x128x64xf32, #tpu.memory_space<vmem>> -> memref<1x128x64xf32, #tpu.memory_space<vmem>>
        %dma_wait3A_327 = tpu.memref_squeeze %dma_wait3A_326 : memref<1x128x64xf32, #tpu.memory_space<vmem>> -> memref<128x64xf32, #tpu.memory_space<vmem>>
        %dma_wait3A_328 = arith.constant 0 : i32
        %dma_wait3A_329 = arith.constant 0 : i32
        %dma_wait3A_330 = tpu.memref_slice %arg4[%mul3A_2, %dma_wait3A_328, %dma_wait3A_329] : memref<6400x128x64xf32, #tpu.memory_space<hbm>> -> memref<1x128x64xf32, #tpu.memory_space<hbm>>
        %dma_wait3A_331 = tpu.memref_squeeze %dma_wait3A_330 : memref<1x128x64xf32, #tpu.memory_space<hbm>> -> memref<128x64xf32, #tpu.memory_space<hbm>>
        %dma_wait3A_332 = arith.constant 0 : i32
        %dma_wait3A_333 = arith.constant 0 : i32
        %dma_wait3A_334 = tpu.memref_slice %arg4[%mul3A_2, %dma_wait3A_332, %dma_wait3A_333] : memref<6400x128x64xf32, #tpu.memory_space<hbm>> -> memref<1x128x64xf32, #tpu.memory_space<hbm>>
        %dma_wait3A_335 = tpu.memref_squeeze %dma_wait3A_334 : memref<1x128x64xf32, #tpu.memory_space<hbm>> -> memref<128x64xf32, #tpu.memory_space<hbm>>
        %dma_wait3A_336 = arith.constant 0 : i32
        %dma_wait3A_337 = arith.constant 0 : i32
        %dma_wait3A_338 = tpu.memref_slice %arg6[%dma_wait3A_323, %dma_wait3A_336, %dma_wait3A_337] : memref<4x128x64xf32, #tpu.memory_space<vmem>> -> memref<1x128x64xf32, #tpu.memory_space<vmem>>
        %dma_wait3A_339 = tpu.memref_squeeze %dma_wait3A_338 : memref<1x128x64xf32, #tpu.memory_space<vmem>> -> memref<128x64xf32, #tpu.memory_space<vmem>>
        tpu.wait_dma2 semaphore(%arg8 : memref<!tpu.dma_semaphore, #tpu.memory_space<semaphore_mem>>) src(%dma_wait3A_339 : memref<128x64xf32, #tpu.memory_space<vmem>>) dst(%dma_wait3A_335 : memref<128x64xf32, #tpu.memory_space<hbm>>)
      } else {
      }
      %mul3A_80 = arith.constant 4 : i32
      %mul3A_81 = arith.muli %scan3A_76, %mul3A_80 : i32
      %add3A_82 = arith.constant 0 : i32
      %add3A_83 = arith.addi %mul3A_81, %add3A_82 : i32
      %mul3A_84 = arith.constant 4 : i32
      %mul3A_85 = arith.muli %scan3A_76, %mul3A_84 : i32
      %add3A_86 = arith.constant 1 : i32
      %add3A_87 = arith.addi %mul3A_85, %add3A_86 : i32
      %mul3A_88 = arith.constant 4 : i32
      %mul3A_89 = arith.muli %scan3A_76, %mul3A_88 : i32
      %add3A_90 = arith.constant 2 : i32
      %add3A_91 = arith.addi %mul3A_89, %add3A_90 : i32
      %mul3A_92 = arith.constant 4 : i32
      %mul3A_93 = arith.muli %scan3A_76, %mul3A_92 : i32
      %add3A_94 = arith.constant 3 : i32
      %add3A_95 = arith.addi %mul3A_93, %add3A_94 : i32
      %dma_start3A = arith.constant 0 : i32
      %dma_start3A_96 = arith.constant 0 : i32
      %dma_start3A_97 = arith.constant 0 : i32
      %dma_start3A_98 = tpu.memref_slice %arg6[%dma_start3A, %dma_start3A_96, %dma_start3A_97] : memref<4x128x64xf32, #tpu.memory_space<vmem>> -> memref<1x128x64xf32, #tpu.memory_space<vmem>>
      %dma_start3A_99 = tpu.memref_squeeze %dma_start3A_98 : memref<1x128x64xf32, #tpu.memory_space<vmem>> -> memref<128x64xf32, #tpu.memory_space<vmem>>
      %dma_start3A_100 = arith.constant 0 : i32
      %dma_start3A_101 = tpu.memref_slice %arg5[%add3A_83, %dma_start3A_100] : memref<200x128xi32, #tpu.memory_space<vmem>> -> memref<1x128xi32, #tpu.memory_space<vmem>>
      %dma_start3A_102 = tpu.memref_squeeze %dma_start3A_101 : memref<1x128xi32, #tpu.memory_space<vmem>> -> memref<128xi32, #tpu.memory_space<vmem>>
      %dma_start3A_103 = arith.constant 0 : i32
      %dma_start3A_104 = arith.constant 0 : i32
      %dma_start3A_105 = tpu.memref_slice %arg2[%dma_start3A_103, %dma_start3A_104] : memref<1000001x64xf32, #tpu.memory_space<hbm>> -> memref<1000001x64xf32, #tpu.memory_space<hbm>>
      tpu.enqueue_indirect_dma source(%dma_start3A_105 : memref<1000001x64xf32, #tpu.memory_space<hbm>>) target(%dma_start3A_99 : memref<128x64xf32, #tpu.memory_space<vmem>>) offsets(%dma_start3A_102 : memref<128xi32, #tpu.memory_space<vmem>>) semaphore(%arg7 : memref<!tpu.dma_semaphore, #tpu.memory_space<semaphore_mem>>)
      %dma_start3A_106 = arith.constant 1 : i32
      %dma_start3A_107 = arith.constant 0 : i32
      %dma_start3A_108 = arith.constant 0 : i32
      %dma_start3A_109 = tpu.memref_slice %arg6[%dma_start3A_106, %dma_start3A_107, %dma_start3A_108] : memref<4x128x64xf32, #tpu.memory_space<vmem>> -> memref<1x128x64xf32, #tpu.memory_space<vmem>>
      %dma_start3A_110 = tpu.memref_squeeze %dma_start3A_109 : memref<1x128x64xf32, #tpu.memory_space<vmem>> -> memref<128x64xf32, #tpu.memory_space<vmem>>
      %dma_start3A_111 = arith.constant 0 : i32
      %dma_start3A_112 = tpu.memref_slice %arg5[%add3A_87, %dma_start3A_111] : memref<200x128xi32, #tpu.memory_space<vmem>> -> memref<1x128xi32, #tpu.memory_space<vmem>>
      %dma_start3A_113 = tpu.memref_squeeze %dma_start3A_112 : memref<1x128xi32, #tpu.memory_space<vmem>> -> memref<128xi32, #tpu.memory_space<vmem>>
      %dma_start3A_114 = arith.constant 0 : i32
      %dma_start3A_115 = arith.constant 0 : i32
      %dma_start3A_116 = tpu.memref_slice %arg2[%dma_start3A_114, %dma_start3A_115] : memref<1000001x64xf32, #tpu.memory_space<hbm>> -> memref<1000001x64xf32, #tpu.memory_space<hbm>>
      tpu.enqueue_indirect_dma source(%dma_start3A_116 : memref<1000001x64xf32, #tpu.memory_space<hbm>>) target(%dma_start3A_110 : memref<128x64xf32, #tpu.memory_space<vmem>>) offsets(%dma_start3A_113 : memref<128xi32, #tpu.memory_space<vmem>>) semaphore(%arg7 : memref<!tpu.dma_semaphore, #tpu.memory_space<semaphore_mem>>)
      %dma_start3A_117 = arith.constant 2 : i32
      %dma_start3A_118 = arith.constant 0 : i32
      %dma_start3A_119 = arith.constant 0 : i32
      %dma_start3A_120 = tpu.memref_slice %arg6[%dma_start3A_117, %dma_start3A_118, %dma_start3A_119] : memref<4x128x64xf32, #tpu.memory_space<vmem>> -> memref<1x128x64xf32, #tpu.memory_space<vmem>>
      %dma_start3A_121 = tpu.memref_squeeze %dma_start3A_120 : memref<1x128x64xf32, #tpu.memory_space<vmem>> -> memref<128x64xf32, #tpu.memory_space<vmem>>
      %dma_start3A_122 = arith.constant 0 : i32
      %dma_start3A_123 = tpu.memref_slice %arg5[%add3A_91, %dma_start3A_122] : memref<200x128xi32, #tpu.memory_space<vmem>> -> memref<1x128xi32, #tpu.memory_space<vmem>>
      %dma_start3A_124 = tpu.memref_squeeze %dma_start3A_123 : memref<1x128xi32, #tpu.memory_space<vmem>> -> memref<128xi32, #tpu.memory_space<vmem>>
      %dma_start3A_125 = arith.constant 0 : i32
      %dma_start3A_126 = arith.constant 0 : i32
      %dma_start3A_127 = tpu.memref_slice %arg2[%dma_start3A_125, %dma_start3A_126] : memref<1000001x64xf32, #tpu.memory_space<hbm>> -> memref<1000001x64xf32, #tpu.memory_space<hbm>>
      tpu.enqueue_indirect_dma source(%dma_start3A_127 : memref<1000001x64xf32, #tpu.memory_space<hbm>>) target(%dma_start3A_121 : memref<128x64xf32, #tpu.memory_space<vmem>>) offsets(%dma_start3A_124 : memref<128xi32, #tpu.memory_space<vmem>>) semaphore(%arg7 : memref<!tpu.dma_semaphore, #tpu.memory_space<semaphore_mem>>)
      %dma_start3A_128 = arith.constant 3 : i32
      %dma_start3A_129 = arith.constant 0 : i32
      %dma_start3A_130 = arith.constant 0 : i32
      %dma_start3A_131 = tpu.memref_slice %arg6[%dma_start3A_128, %dma_start3A_129, %dma_start3A_130] : memref<4x128x64xf32, #tpu.memory_space<vmem>> -> memref<1x128x64xf32, #tpu.memory_space<vmem>>
      %dma_start3A_132 = tpu.memref_squeeze %dma_start3A_131 : memref<1x128x64xf32, #tpu.memory_space<vmem>> -> memref<128x64xf32, #tpu.memory_space<vmem>>
      %dma_start3A_133 = arith.constant 0 : i32
      %dma_start3A_134 = tpu.memref_slice %arg5[%add3A_95, %dma_start3A_133] : memref<200x128xi32, #tpu.memory_space<vmem>> -> memref<1x128xi32, #tpu.memory_space<vmem>>
      %dma_start3A_135 = tpu.memref_squeeze %dma_start3A_134 : memref<1x128xi32, #tpu.memory_space<vmem>> -> memref<128xi32, #tpu.memory_space<vmem>>
      %dma_start3A_136 = arith.constant 0 : i32
      %dma_start3A_137 = arith.constant 0 : i32
      %dma_start3A_138 = tpu.memref_slice %arg2[%dma_start3A_136, %dma_start3A_137] : memref<1000001x64xf32, #tpu.memory_space<hbm>> -> memref<1000001x64xf32, #tpu.memory_space<hbm>>
      tpu.enqueue_indirect_dma source(%dma_start3A_138 : memref<1000001x64xf32, #tpu.memory_space<hbm>>) target(%dma_start3A_132 : memref<128x64xf32, #tpu.memory_space<vmem>>) offsets(%dma_start3A_135 : memref<128xi32, #tpu.memory_space<vmem>>) semaphore(%arg7 : memref<!tpu.dma_semaphore, #tpu.memory_space<semaphore_mem>>)
      %dma_wait3A_139 = arith.constant 0 : i32
      %dma_wait3A_140 = arith.constant 0 : i32
      %dma_wait3A_141 = arith.constant 0 : i32
      %dma_wait3A_142 = tpu.memref_slice %arg6[%dma_wait3A_139, %dma_wait3A_140, %dma_wait3A_141] : memref<4x128x64xf32, #tpu.memory_space<vmem>> -> memref<1x128x64xf32, #tpu.memory_space<vmem>>
      %dma_wait3A_143 = tpu.memref_squeeze %dma_wait3A_142 : memref<1x128x64xf32, #tpu.memory_space<vmem>> -> memref<128x64xf32, #tpu.memory_space<vmem>>
      %dma_wait3A_144 = arith.constant 0 : i32
      %dma_wait3A_145 = tpu.memref_slice %arg5[%add3A_83, %dma_wait3A_144] : memref<200x128xi32, #tpu.memory_space<vmem>> -> memref<1x128xi32, #tpu.memory_space<vmem>>
      %dma_wait3A_146 = tpu.memref_squeeze %dma_wait3A_145 : memref<1x128xi32, #tpu.memory_space<vmem>> -> memref<128xi32, #tpu.memory_space<vmem>>
      %dma_wait3A_147 = arith.constant 0 : i32
      %dma_wait3A_148 = arith.constant 0 : i32
      %dma_wait3A_149 = tpu.memref_slice %arg2[%dma_wait3A_147, %dma_wait3A_148] : memref<1000001x64xf32, #tpu.memory_space<hbm>> -> memref<1000001x64xf32, #tpu.memory_space<hbm>>
      tpu.wait_indirect_dma semaphore(%arg7 : memref<!tpu.dma_semaphore, #tpu.memory_space<semaphore_mem>>) src(%dma_wait3A_149 : memref<1000001x64xf32, #tpu.memory_space<hbm>>) dst(%dma_wait3A_143 : memref<128x64xf32, #tpu.memory_space<vmem>>)
      %dma_wait3A_150 = arith.constant 1 : i32
      %dma_wait3A_151 = arith.constant 0 : i32
      %dma_wait3A_152 = arith.constant 0 : i32
      %dma_wait3A_153 = tpu.memref_slice %arg6[%dma_wait3A_150, %dma_wait3A_151, %dma_wait3A_152] : memref<4x128x64xf32, #tpu.memory_space<vmem>> -> memref<1x128x64xf32, #tpu.memory_space<vmem>>
      %dma_wait3A_154 = tpu.memref_squeeze %dma_wait3A_153 : memref<1x128x64xf32, #tpu.memory_space<vmem>> -> memref<128x64xf32, #tpu.memory_space<vmem>>
      %dma_wait3A_155 = arith.constant 0 : i32
      %dma_wait3A_156 = tpu.memref_slice %arg5[%add3A_87, %dma_wait3A_155] : memref<200x128xi32, #tpu.memory_space<vmem>> -> memref<1x128xi32, #tpu.memory_space<vmem>>
      %dma_wait3A_157 = tpu.memref_squeeze %dma_wait3A_156 : memref<1x128xi32, #tpu.memory_space<vmem>> -> memref<128xi32, #tpu.memory_space<vmem>>
      %dma_wait3A_158 = arith.constant 0 : i32
      %dma_wait3A_159 = arith.constant 0 : i32
      %dma_wait3A_160 = tpu.memref_slice %arg2[%dma_wait3A_158, %dma_wait3A_159] : memref<1000001x64xf32, #tpu.memory_space<hbm>> -> memref<1000001x64xf32, #tpu.memory_space<hbm>>
      tpu.wait_indirect_dma semaphore(%arg7 : memref<!tpu.dma_semaphore, #tpu.memory_space<semaphore_mem>>) src(%dma_wait3A_160 : memref<1000001x64xf32, #tpu.memory_space<hbm>>) dst(%dma_wait3A_154 : memref<128x64xf32, #tpu.memory_space<vmem>>)
      %dma_wait3A_161 = arith.constant 2 : i32
      %dma_wait3A_162 = arith.constant 0 : i32
      %dma_wait3A_163 = arith.constant 0 : i32
      %dma_wait3A_164 = tpu.memref_slice %arg6[%dma_wait3A_161, %dma_wait3A_162, %dma_wait3A_163] : memref<4x128x64xf32, #tpu.memory_space<vmem>> -> memref<1x128x64xf32, #tpu.memory_space<vmem>>
      %dma_wait3A_165 = tpu.memref_squeeze %dma_wait3A_164 : memref<1x128x64xf32, #tpu.memory_space<vmem>> -> memref<128x64xf32, #tpu.memory_space<vmem>>
      %dma_wait3A_166 = arith.constant 0 : i32
      %dma_wait3A_167 = tpu.memref_slice %arg5[%add3A_91, %dma_wait3A_166] : memref<200x128xi32, #tpu.memory_space<vmem>> -> memref<1x128xi32, #tpu.memory_space<vmem>>
      %dma_wait3A_168 = tpu.memref_squeeze %dma_wait3A_167 : memref<1x128xi32, #tpu.memory_space<vmem>> -> memref<128xi32, #tpu.memory_space<vmem>>
      %dma_wait3A_169 = arith.constant 0 : i32
      %dma_wait3A_170 = arith.constant 0 : i32
      %dma_wait3A_171 = tpu.memref_slice %arg2[%dma_wait3A_169, %dma_wait3A_170] : memref<1000001x64xf32, #tpu.memory_space<hbm>> -> memref<1000001x64xf32, #tpu.memory_space<hbm>>
      tpu.wait_indirect_dma semaphore(%arg7 : memref<!tpu.dma_semaphore, #tpu.memory_space<semaphore_mem>>) src(%dma_wait3A_171 : memref<1000001x64xf32, #tpu.memory_space<hbm>>) dst(%dma_wait3A_165 : memref<128x64xf32, #tpu.memory_space<vmem>>)
      %dma_wait3A_172 = arith.constant 3 : i32
      %dma_wait3A_173 = arith.constant 0 : i32
      %dma_wait3A_174 = arith.constant 0 : i32
      %dma_wait3A_175 = tpu.memref_slice %arg6[%dma_wait3A_172, %dma_wait3A_173, %dma_wait3A_174] : memref<4x128x64xf32, #tpu.memory_space<vmem>> -> memref<1x128x64xf32, #tpu.memory_space<vmem>>
      %dma_wait3A_176 = tpu.memref_squeeze %dma_wait3A_175 : memref<1x128x64xf32, #tpu.memory_space<vmem>> -> memref<128x64xf32, #tpu.memory_space<vmem>>
      %dma_wait3A_177 = arith.constant 0 : i32
      %dma_wait3A_178 = tpu.memref_slice %arg5[%add3A_95, %dma_wait3A_177] : memref<200x128xi32, #tpu.memory_space<vmem>> -> memref<1x128xi32, #tpu.memory_space<vmem>>
      %dma_wait3A_179 = tpu.memref_squeeze %dma_wait3A_178 : memref<1x128xi32, #tpu.memory_space<vmem>> -> memref<128xi32, #tpu.memory_space<vmem>>
      %dma_wait3A_180 = arith.constant 0 : i32
      %dma_wait3A_181 = arith.constant 0 : i32
      %dma_wait3A_182 = tpu.memref_slice %arg2[%dma_wait3A_180, %dma_wait3A_181] : memref<1000001x64xf32, #tpu.memory_space<hbm>> -> memref<1000001x64xf32, #tpu.memory_space<hbm>>
      tpu.wait_indirect_dma semaphore(%arg7 : memref<!tpu.dma_semaphore, #tpu.memory_space<semaphore_mem>>) src(%dma_wait3A_182 : memref<1000001x64xf32, #tpu.memory_space<hbm>>) dst(%dma_wait3A_176 : memref<128x64xf32, #tpu.memory_space<vmem>>)
      %mul3A_183 = arith.constant 4 : i32
      %mul3A_184 = arith.muli %scan3A_76, %mul3A_183 : i32
      %add3A_185 = arith.constant 0 : i32
      %add3A_186 = arith.addi %mul3A_184, %add3A_185 : i32
      %add3A_187 = arith.addi %mul3A_2, %add3A_186 : i32
      %dma_start3A_188 = arith.constant 0 : i32
      %dma_start3A_189 = arith.constant 0 : i32
      %dma_start3A_190 = arith.constant 0 : i32
      %dma_start3A_191 = tpu.memref_slice %arg6[%dma_start3A_188, %dma_start3A_189, %dma_start3A_190] : memref<4x128x64xf32, #tpu.memory_space<vmem>> -> memref<1x128x64xf32, #tpu.memory_space<vmem>>
      %dma_start3A_192 = tpu.memref_squeeze %dma_start3A_191 : memref<1x128x64xf32, #tpu.memory_space<vmem>> -> memref<128x64xf32, #tpu.memory_space<vmem>>
      %dma_start3A_193 = arith.constant 0 : i32
      %dma_start3A_194 = arith.constant 0 : i32
      %dma_start3A_195 = tpu.memref_slice %arg4[%add3A_187, %dma_start3A_193, %dma_start3A_194] : memref<6400x128x64xf32, #tpu.memory_space<hbm>> -> memref<1x128x64xf32, #tpu.memory_space<hbm>>
      %dma_start3A_196 = tpu.memref_squeeze %dma_start3A_195 : memref<1x128x64xf32, #tpu.memory_space<hbm>> -> memref<128x64xf32, #tpu.memory_space<hbm>>
      %dma_start3A_197 = arith.constant 0 : i32
      %dma_start3A_198 = arith.constant 0 : i32
      %dma_start3A_199 = tpu.memref_slice %arg4[%add3A_187, %dma_start3A_197, %dma_start3A_198] : memref<6400x128x64xf32, #tpu.memory_space<hbm>> -> memref<1x128x64xf32, #tpu.memory_space<hbm>>
      %dma_start3A_200 = tpu.memref_squeeze %dma_start3A_199 : memref<1x128x64xf32, #tpu.memory_space<hbm>> -> memref<128x64xf32, #tpu.memory_space<hbm>>
      %dma_start3A_201 = arith.constant 0 : i32
      %dma_start3A_202 = arith.constant 0 : i32
      %dma_start3A_203 = tpu.memref_slice %arg6[%dma_start3A_188, %dma_start3A_201, %dma_start3A_202] : memref<4x128x64xf32, #tpu.memory_space<vmem>> -> memref<1x128x64xf32, #tpu.memory_space<vmem>>
      %dma_start3A_204 = tpu.memref_squeeze %dma_start3A_203 : memref<1x128x64xf32, #tpu.memory_space<vmem>> -> memref<128x64xf32, #tpu.memory_space<vmem>>
      tpu.enqueue_dma source(%dma_start3A_204 : memref<128x64xf32, #tpu.memory_space<vmem>>) target(%dma_start3A_200 : memref<128x64xf32, #tpu.memory_space<hbm>>) target_semaphore(%arg8 : memref<!tpu.dma_semaphore, #tpu.memory_space<semaphore_mem>>)
      %mul3A_205 = arith.constant 4 : i32
      %mul3A_206 = arith.muli %scan3A_76, %mul3A_205 : i32
      %add3A_207 = arith.constant 1 : i32
      %add3A_208 = arith.addi %mul3A_206, %add3A_207 : i32
      %add3A_209 = arith.addi %mul3A_2, %add3A_208 : i32
      %dma_start3A_210 = arith.constant 1 : i32
      %dma_start3A_211 = arith.constant 0 : i32
      %dma_start3A_212 = arith.constant 0 : i32
      %dma_start3A_213 = tpu.memref_slice %arg6[%dma_start3A_210, %dma_start3A_211, %dma_start3A_212] : memref<4x128x64xf32, #tpu.memory_space<vmem>> -> memref<1x128x64xf32, #tpu.memory_space<vmem>>
      %dma_start3A_214 = tpu.memref_squeeze %dma_start3A_213 : memref<1x128x64xf32, #tpu.memory_space<vmem>> -> memref<128x64xf32, #tpu.memory_space<vmem>>
      %dma_start3A_215 = arith.constant 0 : i32
      %dma_start3A_216 = arith.constant 0 : i32
      %dma_start3A_217 = tpu.memref_slice %arg4[%add3A_209, %dma_start3A_215, %dma_start3A_216] : memref<6400x128x64xf32, #tpu.memory_space<hbm>> -> memref<1x128x64xf32, #tpu.memory_space<hbm>>
      %dma_start3A_218 = tpu.memref_squeeze %dma_start3A_217 : memref<1x128x64xf32, #tpu.memory_space<hbm>> -> memref<128x64xf32, #tpu.memory_space<hbm>>
      %dma_start3A_219 = arith.constant 0 : i32
      %dma_start3A_220 = arith.constant 0 : i32
      %dma_start3A_221 = tpu.memref_slice %arg4[%add3A_209, %dma_start3A_219, %dma_start3A_220] : memref<6400x128x64xf32, #tpu.memory_space<hbm>> -> memref<1x128x64xf32, #tpu.memory_space<hbm>>
      %dma_start3A_222 = tpu.memref_squeeze %dma_start3A_221 : memref<1x128x64xf32, #tpu.memory_space<hbm>> -> memref<128x64xf32, #tpu.memory_space<hbm>>
      %dma_start3A_223 = arith.constant 0 : i32
      %dma_start3A_224 = arith.constant 0 : i32
      %dma_start3A_225 = tpu.memref_slice %arg6[%dma_start3A_210, %dma_start3A_223, %dma_start3A_224] : memref<4x128x64xf32, #tpu.memory_space<vmem>> -> memref<1x128x64xf32, #tpu.memory_space<vmem>>
      %dma_start3A_226 = tpu.memref_squeeze %dma_start3A_225 : memref<1x128x64xf32, #tpu.memory_space<vmem>> -> memref<128x64xf32, #tpu.memory_space<vmem>>
      tpu.enqueue_dma source(%dma_start3A_226 : memref<128x64xf32, #tpu.memory_space<vmem>>) target(%dma_start3A_222 : memref<128x64xf32, #tpu.memory_space<hbm>>) target_semaphore(%arg8 : memref<!tpu.dma_semaphore, #tpu.memory_space<semaphore_mem>>)
      %mul3A_227 = arith.constant 4 : i32
      %mul3A_228 = arith.muli %scan3A_76, %mul3A_227 : i32
      %add3A_229 = arith.constant 2 : i32
      %add3A_230 = arith.addi %mul3A_228, %add3A_229 : i32
      %add3A_231 = arith.addi %mul3A_2, %add3A_230 : i32
      %dma_start3A_232 = arith.constant 2 : i32
      %dma_start3A_233 = arith.constant 0 : i32
      %dma_start3A_234 = arith.constant 0 : i32
      %dma_start3A_235 = tpu.memref_slice %arg6[%dma_start3A_232, %dma_start3A_233, %dma_start3A_234] : memref<4x128x64xf32, #tpu.memory_space<vmem>> -> memref<1x128x64xf32, #tpu.memory_space<vmem>>
      %dma_start3A_236 = tpu.memref_squeeze %dma_start3A_235 : memref<1x128x64xf32, #tpu.memory_space<vmem>> -> memref<128x64xf32, #tpu.memory_space<vmem>>
      %dma_start3A_237 = arith.constant 0 : i32
      %dma_start3A_238 = arith.constant 0 : i32
      %dma_start3A_239 = tpu.memref_slice %arg4[%add3A_231, %dma_start3A_237, %dma_start3A_238] : memref<6400x128x64xf32, #tpu.memory_space<hbm>> -> memref<1x128x64xf32, #tpu.memory_space<hbm>>
      %dma_start3A_240 = tpu.memref_squeeze %dma_start3A_239 : memref<1x128x64xf32, #tpu.memory_space<hbm>> -> memref<128x64xf32, #tpu.memory_space<hbm>>
      %dma_start3A_241 = arith.constant 0 : i32
      %dma_start3A_242 = arith.constant 0 : i32
      %dma_start3A_243 = tpu.memref_slice %arg4[%add3A_231, %dma_start3A_241, %dma_start3A_242] : memref<6400x128x64xf32, #tpu.memory_space<hbm>> -> memref<1x128x64xf32, #tpu.memory_space<hbm>>
      %dma_start3A_244 = tpu.memref_squeeze %dma_start3A_243 : memref<1x128x64xf32, #tpu.memory_space<hbm>> -> memref<128x64xf32, #tpu.memory_space<hbm>>
      %dma_start3A_245 = arith.constant 0 : i32
      %dma_start3A_246 = arith.constant 0 : i32
      %dma_start3A_247 = tpu.memref_slice %arg6[%dma_start3A_232, %dma_start3A_245, %dma_start3A_246] : memref<4x128x64xf32, #tpu.memory_space<vmem>> -> memref<1x128x64xf32, #tpu.memory_space<vmem>>
      %dma_start3A_248 = tpu.memref_squeeze %dma_start3A_247 : memref<1x128x64xf32, #tpu.memory_space<vmem>> -> memref<128x64xf32, #tpu.memory_space<vmem>>
      tpu.enqueue_dma source(%dma_start3A_248 : memref<128x64xf32, #tpu.memory_space<vmem>>) target(%dma_start3A_244 : memref<128x64xf32, #tpu.memory_space<hbm>>) target_semaphore(%arg8 : memref<!tpu.dma_semaphore, #tpu.memory_space<semaphore_mem>>)
      %mul3A_249 = arith.constant 4 : i32
      %mul3A_250 = arith.muli %scan3A_76, %mul3A_249 : i32
      %add3A_251 = arith.constant 3 : i32
      %add3A_252 = arith.addi %mul3A_250, %add3A_251 : i32
      %add3A_253 = arith.addi %mul3A_2, %add3A_252 : i32
      %dma_start3A_254 = arith.constant 3 : i32
      %dma_start3A_255 = arith.constant 0 : i32
      %dma_start3A_256 = arith.constant 0 : i32
      %dma_start3A_257 = tpu.memref_slice %arg6[%dma_start3A_254, %dma_start3A_255, %dma_start3A_256] : memref<4x128x64xf32, #tpu.memory_space<vmem>> -> memref<1x128x64xf32, #tpu.memory_space<vmem>>
      %dma_start3A_258 = tpu.memref_squeeze %dma_start3A_257 : memref<1x128x64xf32, #tpu.memory_space<vmem>> -> memref<128x64xf32, #tpu.memory_space<vmem>>
      %dma_start3A_259 = arith.constant 0 : i32
      %dma_start3A_260 = arith.constant 0 : i32
      %dma_start3A_261 = tpu.memref_slice %arg4[%add3A_253, %dma_start3A_259, %dma_start3A_260] : memref<6400x128x64xf32, #tpu.memory_space<hbm>> -> memref<1x128x64xf32, #tpu.memory_space<hbm>>
      %dma_start3A_262 = tpu.memref_squeeze %dma_start3A_261 : memref<1x128x64xf32, #tpu.memory_space<hbm>> -> memref<128x64xf32, #tpu.memory_space<hbm>>
      %dma_start3A_263 = arith.constant 0 : i32
      %dma_start3A_264 = arith.constant 0 : i32
      %dma_start3A_265 = tpu.memref_slice %arg4[%add3A_253, %dma_start3A_263, %dma_start3A_264] : memref<6400x128x64xf32, #tpu.memory_space<hbm>> -> memref<1x128x64xf32, #tpu.memory_space<hbm>>
      %dma_start3A_266 = tpu.memref_squeeze %dma_start3A_265 : memref<1x128x64xf32, #tpu.memory_space<hbm>> -> memref<128x64xf32, #tpu.memory_space<hbm>>
      %dma_start3A_267 = arith.constant 0 : i32
      %dma_start3A_268 = arith.constant 0 : i32
      %dma_start3A_269 = tpu.memref_slice %arg6[%dma_start3A_254, %dma_start3A_267, %dma_start3A_268] : memref<4x128x64xf32, #tpu.memory_space<vmem>> -> memref<1x128x64xf32, #tpu.memory_space<vmem>>
      %dma_start3A_270 = tpu.memref_squeeze %dma_start3A_269 : memref<1x128x64xf32, #tpu.memory_space<vmem>> -> memref<128x64xf32, #tpu.memory_space<vmem>>
      tpu.enqueue_dma source(%dma_start3A_270 : memref<128x64xf32, #tpu.memory_space<vmem>>) target(%dma_start3A_266 : memref<128x64xf32, #tpu.memory_space<hbm>>) target_semaphore(%arg8 : memref<!tpu.dma_semaphore, #tpu.memory_space<semaphore_mem>>)
      %scan3A_271 = arith.constant 0 : i32
      scf.yield %scan3A_271 : i32
    }
    %scan3A_8 = arith.constant 50 : i32
    %dma_wait3A = arith.constant 0 : i32
    %dma_wait3A_9 = arith.constant 0 : i32
    %dma_wait3A_10 = arith.constant 0 : i32
    %dma_wait3A_11 = tpu.memref_slice %arg6[%dma_wait3A, %dma_wait3A_9, %dma_wait3A_10] : memref<4x128x64xf32, #tpu.memory_space<vmem>> -> memref<1x128x64xf32, #tpu.memory_space<vmem>>
    %dma_wait3A_12 = tpu.memref_squeeze %dma_wait3A_11 : memref<1x128x64xf32, #tpu.memory_space<vmem>> -> memref<128x64xf32, #tpu.memory_space<vmem>>
    %dma_wait3A_13 = arith.constant 0 : i32
    %dma_wait3A_14 = arith.constant 0 : i32
    %dma_wait3A_15 = tpu.memref_slice %arg4[%mul3A_2, %dma_wait3A_13, %dma_wait3A_14] : memref<6400x128x64xf32, #tpu.memory_space<hbm>> -> memref<1x128x64xf32, #tpu.memory_space<hbm>>
    %dma_wait3A_16 = tpu.memref_squeeze %dma_wait3A_15 : memref<1x128x64xf32, #tpu.memory_space<hbm>> -> memref<128x64xf32, #tpu.memory_space<hbm>>
    %dma_wait3A_17 = arith.constant 0 : i32
    %dma_wait3A_18 = arith.constant 0 : i32
    %dma_wait3A_19 = tpu.memref_slice %arg4[%mul3A_2, %dma_wait3A_17, %dma_wait3A_18] : memref<6400x128x64xf32, #tpu.memory_space<hbm>> -> memref<1x128x64xf32, #tpu.memory_space<hbm>>
    %dma_wait3A_20 = tpu.memref_squeeze %dma_wait3A_19 : memref<1x128x64xf32, #tpu.memory_space<hbm>> -> memref<128x64xf32, #tpu.memory_space<hbm>>
    %dma_wait3A_21 = arith.constant 0 : i32
    %dma_wait3A_22 = arith.constant 0 : i32
    %dma_wait3A_23 = tpu.memref_slice %arg6[%dma_wait3A, %dma_wait3A_21, %dma_wait3A_22] : memref<4x128x64xf32, #tpu.memory_space<vmem>> -> memref<1x128x64xf32, #tpu.memory_space<vmem>>
    %dma_wait3A_24 = tpu.memref_squeeze %dma_wait3A_23 : memref<1x128x64xf32, #tpu.memory_space<vmem>> -> memref<128x64xf32, #tpu.memory_space<vmem>>
    tpu.wait_dma2 semaphore(%arg8 : memref<!tpu.dma_semaphore, #tpu.memory_space<semaphore_mem>>) src(%dma_wait3A_24 : memref<128x64xf32, #tpu.memory_space<vmem>>) dst(%dma_wait3A_20 : memref<128x64xf32, #tpu.memory_space<hbm>>)
    %dma_wait3A_25 = arith.constant 1 : i32
    %dma_wait3A_26 = arith.constant 0 : i32
    %dma_wait3A_27 = arith.constant 0 : i32
    %dma_wait3A_28 = tpu.memref_slice %arg6[%dma_wait3A_25, %dma_wait3A_26, %dma_wait3A_27] : memref<4x128x64xf32, #tpu.memory_space<vmem>> -> memref<1x128x64xf32, #tpu.memory_space<vmem>>
    %dma_wait3A_29 = tpu.memref_squeeze %dma_wait3A_28 : memref<1x128x64xf32, #tpu.memory_space<vmem>> -> memref<128x64xf32, #tpu.memory_space<vmem>>
    %dma_wait3A_30 = arith.constant 0 : i32
    %dma_wait3A_31 = arith.constant 0 : i32
    %dma_wait3A_32 = tpu.memref_slice %arg4[%mul3A_2, %dma_wait3A_30, %dma_wait3A_31] : memref<6400x128x64xf32, #tpu.memory_space<hbm>> -> memref<1x128x64xf32, #tpu.memory_space<hbm>>
    %dma_wait3A_33 = tpu.memref_squeeze %dma_wait3A_32 : memref<1x128x64xf32, #tpu.memory_space<hbm>> -> memref<128x64xf32, #tpu.memory_space<hbm>>
    %dma_wait3A_34 = arith.constant 0 : i32
    %dma_wait3A_35 = arith.constant 0 : i32
    %dma_wait3A_36 = tpu.memref_slice %arg4[%mul3A_2, %dma_wait3A_34, %dma_wait3A_35] : memref<6400x128x64xf32, #tpu.memory_space<hbm>> -> memref<1x128x64xf32, #tpu.memory_space<hbm>>
    %dma_wait3A_37 = tpu.memref_squeeze %dma_wait3A_36 : memref<1x128x64xf32, #tpu.memory_space<hbm>> -> memref<128x64xf32, #tpu.memory_space<hbm>>
    %dma_wait3A_38 = arith.constant 0 : i32
    %dma_wait3A_39 = arith.constant 0 : i32
    %dma_wait3A_40 = tpu.memref_slice %arg6[%dma_wait3A_25, %dma_wait3A_38, %dma_wait3A_39] : memref<4x128x64xf32, #tpu.memory_space<vmem>> -> memref<1x128x64xf32, #tpu.memory_space<vmem>>
    %dma_wait3A_41 = tpu.memref_squeeze %dma_wait3A_40 : memref<1x128x64xf32, #tpu.memory_space<vmem>> -> memref<128x64xf32, #tpu.memory_space<vmem>>
    tpu.wait_dma2 semaphore(%arg8 : memref<!tpu.dma_semaphore, #tpu.memory_space<semaphore_mem>>) src(%dma_wait3A_41 : memref<128x64xf32, #tpu.memory_space<vmem>>) dst(%dma_wait3A_37 : memref<128x64xf32, #tpu.memory_space<hbm>>)
    %dma_wait3A_42 = arith.constant 2 : i32
    %dma_wait3A_43 = arith.constant 0 : i32
    %dma_wait3A_44 = arith.constant 0 : i32
    %dma_wait3A_45 = tpu.memref_slice %arg6[%dma_wait3A_42, %dma_wait3A_43, %dma_wait3A_44] : memref<4x128x64xf32, #tpu.memory_space<vmem>> -> memref<1x128x64xf32, #tpu.memory_space<vmem>>
    %dma_wait3A_46 = tpu.memref_squeeze %dma_wait3A_45 : memref<1x128x64xf32, #tpu.memory_space<vmem>> -> memref<128x64xf32, #tpu.memory_space<vmem>>
    %dma_wait3A_47 = arith.constant 0 : i32
    %dma_wait3A_48 = arith.constant 0 : i32
    %dma_wait3A_49 = tpu.memref_slice %arg4[%mul3A_2, %dma_wait3A_47, %dma_wait3A_48] : memref<6400x128x64xf32, #tpu.memory_space<hbm>> -> memref<1x128x64xf32, #tpu.memory_space<hbm>>
    %dma_wait3A_50 = tpu.memref_squeeze %dma_wait3A_49 : memref<1x128x64xf32, #tpu.memory_space<hbm>> -> memref<128x64xf32, #tpu.memory_space<hbm>>
    %dma_wait3A_51 = arith.constant 0 : i32
    %dma_wait3A_52 = arith.constant 0 : i32
    %dma_wait3A_53 = tpu.memref_slice %arg4[%mul3A_2, %dma_wait3A_51, %dma_wait3A_52] : memref<6400x128x64xf32, #tpu.memory_space<hbm>> -> memref<1x128x64xf32, #tpu.memory_space<hbm>>
    %dma_wait3A_54 = tpu.memref_squeeze %dma_wait3A_53 : memref<1x128x64xf32, #tpu.memory_space<hbm>> -> memref<128x64xf32, #tpu.memory_space<hbm>>
    %dma_wait3A_55 = arith.constant 0 : i32
    %dma_wait3A_56 = arith.constant 0 : i32
    %dma_wait3A_57 = tpu.memref_slice %arg6[%dma_wait3A_42, %dma_wait3A_55, %dma_wait3A_56] : memref<4x128x64xf32, #tpu.memory_space<vmem>> -> memref<1x128x64xf32, #tpu.memory_space<vmem>>
    %dma_wait3A_58 = tpu.memref_squeeze %dma_wait3A_57 : memref<1x128x64xf32, #tpu.memory_space<vmem>> -> memref<128x64xf32, #tpu.memory_space<vmem>>
    tpu.wait_dma2 semaphore(%arg8 : memref<!tpu.dma_semaphore, #tpu.memory_space<semaphore_mem>>) src(%dma_wait3A_58 : memref<128x64xf32, #tpu.memory_space<vmem>>) dst(%dma_wait3A_54 : memref<128x64xf32, #tpu.memory_space<hbm>>)
    %dma_wait3A_59 = arith.constant 3 : i32
    %dma_wait3A_60 = arith.constant 0 : i32
    %dma_wait3A_61 = arith.constant 0 : i32
    %dma_wait3A_62 = tpu.memref_slice %arg6[%dma_wait3A_59, %dma_wait3A_60, %dma_wait3A_61] : memref<4x128x64xf32, #tpu.memory_space<vmem>> -> memref<1x128x64xf32, #tpu.memory_space<vmem>>
    %dma_wait3A_63 = tpu.memref_squeeze %dma_wait3A_62 : memref<1x128x64xf32, #tpu.memory_space<vmem>> -> memref<128x64xf32, #tpu.memory_space<vmem>>
    %dma_wait3A_64 = arith.constant 0 : i32
    %dma_wait3A_65 = arith.constant 0 : i32
    %dma_wait3A_66 = tpu.memref_slice %arg4[%mul3A_2, %dma_wait3A_64, %dma_wait3A_65] : memref<6400x128x64xf32, #tpu.memory_space<hbm>> -> memref<1x128x64xf32, #tpu.memory_space<hbm>>
    %dma_wait3A_67 = tpu.memref_squeeze %dma_wait3A_66 : memref<1x128x64xf32, #tpu.memory_space<hbm>> -> memref<128x64xf32, #tpu.memory_space<hbm>>
    %dma_wait3A_68 = arith.constant 0 : i32
    %dma_wait3A_69 = arith.constant 0 : i32
    %dma_wait3A_70 = tpu.memref_slice %arg4[%mul3A_2, %dma_wait3A_68, %dma_wait3A_69] : memref<6400x128x64xf32, #tpu.memory_space<hbm>> -> memref<1x128x64xf32, #tpu.memory_space<hbm>>
    %dma_wait3A_71 = tpu.memref_squeeze %dma_wait3A_70 : memref<1x128x64xf32, #tpu.memory_space<hbm>> -> memref<128x64xf32, #tpu.memory_space<hbm>>
    %dma_wait3A_72 = arith.constant 0 : i32
    %dma_wait3A_73 = arith.constant 0 : i32
    %dma_wait3A_74 = tpu.memref_slice %arg6[%dma_wait3A_59, %dma_wait3A_72, %dma_wait3A_73] : memref<4x128x64xf32, #tpu.memory_space<vmem>> -> memref<1x128x64xf32, #tpu.memory_space<vmem>>
    %dma_wait3A_75 = tpu.memref_squeeze %dma_wait3A_74 : memref<1x128x64xf32, #tpu.memory_space<vmem>> -> memref<128x64xf32, #tpu.memory_space<vmem>>
    tpu.wait_dma2 semaphore(%arg8 : memref<!tpu.dma_semaphore, #tpu.memory_space<semaphore_mem>>) src(%dma_wait3A_75 : memref<128x64xf32, #tpu.memory_space<vmem>>) dst(%dma_wait3A_71 : memref<128x64xf32, #tpu.memory_space<hbm>>)
    return
  }
}

module attributes {stable_mosaic.version = 14 : i64} {
  func.func @body(%arg0: i32, %arg1: memref<6400x128xf32, #tpu.memory_space<vmem>>, %arg2: memref<6400x2xi32, #tpu.memory_space<vmem>>, %arg3: memref<64x6400xf32, #tpu.memory_space<vmem>>, %arg4: memref<16x256xf32, #tpu.memory_space<vmem>>, %arg5: memref<128x256xf32, #tpu.memory_space<vmem>>, %arg6: memref<64x128xf32, #tpu.memory_space<vmem>>) attributes {dimension_semantics = [#tpu.dimension_semantics<arbitrary>], iteration_bounds = array<i64: 64>, scalar_prefetch = 0 : i64, scratch_operands = 0 : i64, tpu.core_type = #tpu.core_type<tc>, window_params = [{transform_indices = @transform_0, window_bounds = array<i64: 6400, 128>}, {transform_indices = @transform_1, window_bounds = array<i64: 6400, 2>}, {pipeline_mode = #tpu.pipeline_mode<synchronous>, transform_indices = @transform_2, window_bounds = array<i64: 64, 6400>}, {pipeline_mode = #tpu.pipeline_mode<synchronous>, transform_indices = @transform_3, window_bounds = array<i64: 16, 256>}, {pipeline_mode = #tpu.pipeline_mode<synchronous>, transform_indices = @transform_4, window_bounds = array<i64: 128, 256>}, {transform_indices = @transform_5, window_bounds = array<i64: 64, 128>}]} {
    %get3A = arith.constant 0 : index
    %get3A_0 = arith.constant 0 : index
    %get3A_1 = vector.load %arg1[%get3A, %get3A_0] : memref<6400x128xf32, #tpu.memory_space<vmem>>, vector<6400x128xf32>
    %get3A_2 = arith.constant 0 : index
    %get3A_3 = arith.constant 0 : index
    %get3A_4 = vector.load %arg5[%get3A_2, %get3A_3] : memref<128x256xf32, #tpu.memory_space<vmem>>, vector<128x256xf32>
    %dot_general3A = arith.constant dense<0.000000e+00> : vector<6400x256xf32>
    %dot_general3A_5 = tpu.matmul %get3A_1, %get3A_4, %dot_general3A {dimension_numbers = #tpu.dot_dimension_numbers<[1], [0], [0], [1], [0, 0, 1, 1], [], []>, transpose_lhs_hint = false} : vector<6400x128xf32>, vector<128x256xf32>, vector<6400x256xf32> -> vector<6400x256xf32>
    %iota3A = tpu.iota {dimensions = array<i32: 1>} : vector<6400x16xi32>
    %lt3A = arith.constant 8 : i32
    %lt3A_6 = vector.broadcast %lt3A : i32 to vector<6400x16xi32>
    %lt3A_7 = arith.cmpi slt, %iota3A, %lt3A_6 : vector<6400x16xi32>
    %get3A_8 = arith.constant 0 : index
    %get3A_9 = arith.constant 0 : index
    %get3A_10 = vector.load %arg2[%get3A_8, %get3A_9] : memref<6400x2xi32, #tpu.memory_space<vmem>>, vector<6400x1xi32>
    %get3A_11 = arith.constant 0 : index
    %get3A_12 = arith.constant 1 : index
    %get3A_13 = vector.load %arg2[%get3A_11, %get3A_12] : memref<6400x2xi32, #tpu.memory_space<vmem>>, vector<6400x1xi32>
    %add3A = arith.constant 8 : i32
    %add3A_14 = vector.broadcast %add3A : i32 to vector<6400x1xi32>
    %add3A_15 = arith.addi %get3A_13, %add3A_14 : vector<6400x1xi32>
    %broadcast_in_dim3A = vector.shape_cast %get3A_10 : vector<6400x1xi32> to vector<6400x1xi32>
    %broadcast_in_dim3A_16 = vector.broadcast %broadcast_in_dim3A : vector<6400x1xi32> to vector<6400x16xi32>
    %broadcast_in_dim3A_17 = vector.shape_cast %add3A_15 : vector<6400x1xi32> to vector<6400x1xi32>
    %broadcast_in_dim3A_18 = vector.broadcast %broadcast_in_dim3A_17 : vector<6400x1xi32> to vector<6400x16xi32>
    %select_n3A = arith.select %lt3A_7, %broadcast_in_dim3A_16, %broadcast_in_dim3A_18 : vector<6400x16xi1>, vector<6400x16xi32>
    %eq3A = arith.cmpi eq, %iota3A, %select_n3A : vector<6400x16xi32>
    %convert_element_type3A = arith.extui %eq3A : vector<6400x16xi1> to vector<6400x16xi32>
    %convert_element_type3A_19 = arith.sitofp %convert_element_type3A : vector<6400x16xi32> to vector<6400x16xf32>
    %get3A_20 = arith.constant 0 : index
    %get3A_21 = arith.constant 0 : index
    %get3A_22 = vector.load %arg4[%get3A_20, %get3A_21] : memref<16x256xf32, #tpu.memory_space<vmem>>, vector<16x256xf32>
    %dot_general3A_23 = arith.constant dense<0.000000e+00> : vector<6400x256xf32>
    %dot_general3A_24 = tpu.matmul %convert_element_type3A_19, %get3A_22, %dot_general3A_23 {dimension_numbers = #tpu.dot_dimension_numbers<[1], [0], [0], [1], [0, 0, 1, 1], [], []>, transpose_lhs_hint = false} : vector<6400x16xf32>, vector<16x256xf32>, vector<6400x256xf32> -> vector<6400x256xf32>
    %add3A_25 = arith.addf %dot_general3A_5, %dot_general3A_24 : vector<6400x256xf32>
    %max3A = arith.constant 0.000000e+00 : f32
    %max3A_26 = vector.broadcast %max3A : f32 to vector<6400x256xf32>
    %max3A_27 = arith.maximumf %add3A_25, %max3A_26 : vector<6400x256xf32>
    %slice3A = vector.extract_strided_slice %max3A_27 {offsets = [0, 0], sizes = [6400, 128], strides = [1, 1]} : vector<6400x256xf32> to vector<6400x128xf32>
    %slice3A_28 = vector.extract_strided_slice %max3A_27 {offsets = [0, 128], sizes = [6400, 128], strides = [1, 1]} : vector<6400x256xf32> to vector<6400x128xf32>
    %add3A_29 = arith.addf %slice3A, %slice3A_28 : vector<6400x128xf32>
    %get3A_30 = arith.constant 0 : index
    %get3A_31 = arith.constant 0 : index
    %get3A_32 = vector.load %arg3[%get3A_30, %get3A_31] : memref<64x6400xf32, #tpu.memory_space<vmem>>, vector<64x6400xf32>
    %dot_general3A_33 = arith.constant dense<0.000000e+00> : vector<64x128xf32>
    %dot_general3A_34 = tpu.matmul %get3A_32, %add3A_29, %dot_general3A_33 {dimension_numbers = #tpu.dot_dimension_numbers<[1], [0], [0], [1], [0, 0, 1, 1], [], []>, transpose_lhs_hint = false} : vector<64x6400xf32>, vector<6400x128xf32>, vector<64x128xf32> -> vector<64x128xf32>
    %swap3A = arith.constant 0 : index
    %swap3A_35 = arith.constant 0 : index
    %swap3A_36 = vector.load %arg6[%swap3A, %swap3A_35] : memref<64x128xf32, #tpu.memory_space<vmem>>, vector<64x128xf32>
    tpu.vector_store %arg6[%swap3A, %swap3A_35], %dot_general3A_34 {strides = array<i32>} : memref<64x128xf32, #tpu.memory_space<vmem>>, vector<64x128xf32>,
    return
  }
  func.func @transform_0(%arg0: i32) -> (i32, i32) {
    %c0_i32 = arith.constant 0 : i32
    %c0_i32_0 = arith.constant 0 : i32
    return %arg0, %c0_i32 : i32, i32
  }
  func.func @transform_1(%arg0: i32) -> (i32, i32) {
    %c0_i32 = arith.constant 0 : i32
    %c0_i32_0 = arith.constant 0 : i32
    return %arg0, %c0_i32 : i32, i32
  }
  func.func @transform_2(%arg0: i32) -> (i32, i32) {
    %c0_i32 = arith.constant 0 : i32
    %c0_i32_0 = arith.constant 0 : i32
    %c0_i32_1 = arith.constant 0 : i32
    return %c0_i32, %c0_i32_0 : i32, i32
  }
  func.func @transform_3(%arg0: i32) -> (i32, i32) {
    %c0_i32 = arith.constant 0 : i32
    %c0_i32_0 = arith.constant 0 : i32
    %c0_i32_1 = arith.constant 0 : i32
    return %c0_i32, %c0_i32_0 : i32, i32
  }
  func.func @transform_4(%arg0: i32) -> (i32, i32) {
    %c0_i32 = arith.constant 0 : i32
    %c0_i32_0 = arith.constant 0 : i32
    %c0_i32_1 = arith.constant 0 : i32
    return %c0_i32, %c0_i32_0 : i32, i32
  }
  func.func @transform_5(%arg0: i32) -> (i32, i32) {
    %c0_i32 = arith.constant 0 : i32
    %c0_i32_0 = arith.constant 0 : i32
    return %arg0, %c0_i32 : i32, i32
  }
}

</mosaic_0001>

<sc_bundles>
// kernel: kernel.4.cloned.1.call-start
scs
__scs_entry_jumppad:
0x0: {  	(pc) =	sbr.rel $0x88, $3  }
0x1: {  	(tag) =	ssettag $0x0;
	lr =	simm.s32 $0x1  }
0x2: {  	[smem:$0x3F9B] =	sst lr;
	_ =	strace $0xD0000000  }
0x3: {  	_ = 	snop  }
0x4: {  	_ = 	snop  }
0x5: {  	_ = 	snop  }
0x6: {  	_ = 	snop  }
0x7: {  	_ = 	snop  }
__scs_overlays_trampoline_lowered:
0x8: {  	[smem:$0x3FAA] =	sst s0  }
0x9: {  	[smem:$0x3FAB] =	sst s1  }
0xa: {  	[smem:$0x3FAC] =	sst s2  }
0xb: {  	[smem:$0x3FAD] =	sst s3  }
0xc: {  	[smem:$0x3FAE] =	sst s4  }
0xd: {  	[smem:$0x3FAF] =	sst s5  }
0xe: {  	[smem:$0x3FB0] =	sst s6  }
0xf: {  	[smem:$0x3FB1] =	sst s7  }
0x10: {  	[smem:$0x3FB2] =	sst s8  }
0x11: {  	[smem:$0x3FB3] =	sst s9;
	s0 =	simm.s32 @!p0 $0x0  }
0x12: {  	s1 =	sld [smem:$0x3F99];
	s0 =	simm.s32 @p0 $0x1  }
0x13: {  	[smem:$0x3FB4] =	sst s0;
	s0 =	simm.s32 @!p1 $0x0  }
0x14: {  	s2 =	sld [smem:$0x3F98];
	s0 =	simm.s32 @p1 $0x1  }
0x15: {  	[smem:$0x3FB5] =	sst s0;
	s0 =	simm.s32 @!p2 $0x0  }
0x16: {  	s3 =	sld [smem:$0x3FDB];
	s0 =	simm.s32 @p2 $0x1  }
0x17: {  	s4 =	simm.s32 $0x1BF5;
	[smem:$0x3FB7] =	sst s0  }
0x18: {  	s0 =	sld [smem:$0x3F9A];
	_ =	swait.ge [sflag:s4], $0x0  }
0x19: {  	s7 =	sld [smem:$0x3F9B]  }
0x1a: {  	s8 =	sadd.s32 $0xFFFFE003, lr  }
0x1b: {  	s9 =	sadd.s32 $0xFFFFFEF7, lr;
	s5 =	simm.s32 $0xFFFFFFFF;
	p2 =	slt.u32 s8, $0xFFFFF086  }
0x1c: {  	p1 =	slt.u32 s9, $0xF7A;
	s5 =	simm.s32 @!p2 $0x0  }
0x1d: {  	s5 =	simm.s32 @p1 $0x1;
	p0 =	seq.s32 s7, s2  }
0x1e: {  	s7 =	smul.u32 @!p0 $0xF7A, s2;
	p2 =	seq.s32 @!p0 s5, $0x0  }
0x1f: {  	s9 =	smul.u32 $0xF7A, s1;
	s8 =	simm.s32 @!p0 $0x1BF5;
	p2 =	por !p2, p0  }
0x20: {  	[sflag:s8] =	ssyncset.s32 @!p0 $0xFFFFF086;
	s6 =	sadd.s32 @!p0 s3, s7;
	s7 =	simm.s32 @!p0 $0x108  }
0x21: {  	s3 =	sadd.s32 s3, s9;
	s6 =	sadd.s32 @!p0 $0x88, s6;
	s7 =	simm.s32 @p2 $0x1082  }
0x22: {  	[simem:s7], [sflag:s8] =	dma.local @!p0 [hbm:s6], $0xF7A  }
0x23: {  	s9 =	sor.u32 $0xD0000000, s2;
	s6 =	simm.s32 $0x108;
	_ =	swait.ge @!p0 [sflag:s8], $0x0  }
0x24: {  	s3 =	sadd.s32 $0x88, s3;
	s6 =	simm.s32 @!p1 $0x1082;
	[sflag:s4] =	ssyncset.s32 $0xFFFFF086  }
0x25: {  	[simem:s6], [sflag:s4] =	dma.local [hbm:s3], $0xF7A  }
0x26: {  	[smem:$0x3F9B] =	sst s1;
	(tag) =	ssettag s2;
	_ =	strace s9  }
0x27: {  	s1 =	sld [smem:$0x3FAB]  }
0x28: {  	s2 =	sld [smem:$0x3FAC]  }
0x29: {  	s4 =	sld [smem:$0x3FAE]  }
0x2a: {  	p0 =	seq.s32 s5, $0x0;
	s5 =	sld [smem:$0x3FAF]  }
0x2b: {  	s6 =	sld [smem:$0x3FB0]  }
0x2c: {  	s7 =	sld [smem:$0x3FB1]  }
0x2d: {  	s3 =	simm.s32 $0x108;
	s8 =	sld [smem:$0x3FB2]  }
0x2e: {  	s3 =	simm.s32 @!p0 $0x1082;
	s9 =	sld [smem:$0x3FB3]  }
0x2f: {  	lr =	sadd.s32 s0, s3;
	s0 =	sld [smem:$0x3FAA]  }
0x30: {  	s3 =	sld [smem:$0x3FAD]  }
0x31: {  	[smem:$0x3FB6] =	sst s10  }
0x32: {  	s10 =	sld [smem:$0x3FB4];
	_ =	sdelay $0x3  }
0x33: {  	p0 =	seq.s32 s10, $0x1;
	s10 =	sld [smem:$0x3FB6];
	_ =	sdelay $0x3  }
0x34: {  	[smem:$0x3FB6] =	sst s10  }
0x35: {  	s10 =	sld [smem:$0x3FB5];
	_ =	sdelay $0x3  }
0x36: {  	p1 =	seq.s32 s10, $0x1;
	s10 =	sld [smem:$0x3FB6];
	_ =	sdelay $0x3  }
0x37: {  	[smem:$0x3FB6] =	sst s10  }
0x38: {  	s10 =	sld [smem:$0x3FB7]  }
0x39: {  	_ = 	snop;
	(pc) =	sbr.ind lr, $3  }
0x3a: {  	_ = 	snop  }
0x3b: {  	_ = 	snop  }
0x3c: {  	p2 =	seq.s32 s10, $0x1;
	s10 =	sld [smem:$0x3FB6]  }
0x3d: {  	_ =	shalt  }
0x3e: {  	_ =	shalt  }
0x3f: {  	_ =	shalt  }
0x40: {  	_ =	shalt  }
0x41: {  	_ =	shalt  }
0x42: {  	_ =	shalt  }
0x43: {  	_ =	shalt  }
0x44: {  	_ =	shalt  }
0x45: {  	_ =	shalt  }
0x46: {  	_ =	shalt  }
0x47: {  	_ =	shalt  }
0x48: {  	_ =	shalt  }
0x49: {  	_ =	shalt  }
0x4a: {  	_ =	shalt  }
0x4b: {  	_ =	shalt  }
0x4c: {  	_ =	shalt  }
0x4d: {  	_ =	shalt  }
0x4e: {  	_ =	shalt  }
0x4f: {  	_ =	shalt  }
0x50: {  	_ =	shalt  }
0x51: {  	_ =	shalt  }
0x52: {  	_ =	shalt  }
0x53: {  	_ =	shalt  }
0x54: {  	_ =	shalt  }
0x55: {  	_ =	shalt  }
0x56: {  	_ =	shalt  }
0x57: {  	_ =	shalt  }
0x58: {  	_ =	shalt  }
0x59: {  	_ =	shalt  }
0x5a: {  	_ =	shalt  }
0x5b: {  	_ =	shalt  }
0x5c: {  	_ =	shalt  }
0x5d: {  	_ =	shalt  }
0x5e: {  	_ =	shalt  }
0x5f: {  	_ =	shalt  }
0x60: {  	_ =	shalt  }
0x61: {  	_ =	shalt  }
0x62: {  	_ =	shalt  }
0x63: {  	_ =	shalt  }
0x64: {  	_ =	shalt  }
0x65: {  	_ =	shalt  }
0x66: {  	_ =	shalt  }
0x67: {  	_ =	shalt  }
0x68: {  	_ =	shalt  }
0x69: {  	_ =	shalt  }
0x6a: {  	_ =	shalt  }
0x6b: {  	_ =	shalt  }
0x6c: {  	_ =	shalt  }
0x6d: {  	_ =	shalt  }
0x6e: {  	_ =	shalt  }
0x6f: {  	_ =	shalt  }
0x70: {  	_ =	shalt  }
0x71: {  	_ =	shalt  }
0x72: {  	_ =	shalt  }
0x73: {  	_ =	shalt  }
0x74: {  	_ =	shalt  }
0x75: {  	_ =	shalt  }
0x76: {  	_ =	shalt  }
0x77: {  	_ =	shalt  }
0x78: {  	_ =	shalt  }
0x79: {  	_ =	shalt  }
0x7a: {  	_ =	shalt  }
0x7b: {  	_ =	shalt  }
0x7c: {  	_ =	shalt  }
0x7d: {  	_ =	shalt  }
0x7e: {  	_ =	shalt  }
0x7f: {  	_ =	shalt  }
0x80: {  	_ =	shalt  }
0x81: {  	_ =	shalt  }
0x82: {  	_ =	shalt  }
0x83: {  	_ =	shalt  }
0x84: {  	_ =	shalt  }
0x85: {  	_ =	shalt  }
0x86: {  	_ =	shalt  }
0x87: {  	_ =	shalt  }
.Lfunc_end0:
.L_simem_size_0:
called_computation_lowered:
.L_overlay_start_0:
0x88: {  	s2 =	sld [smem:$0x3FD9]  }
0x89: {  	s3 =	sld [smem:$0x3FFE];
	_ =	sdelay $0x1  }
0x8a: {  	s1 =	srdreg.scid  }
0x8b: {  	s0 =	sand.u32 $0x1, s1  }
0x8c: {  	s16 =	sshll.u32 s0, $0xA;
	s2 =	sadd.s32 s3, s2  }
0x8d: {  	s2 =	sadd.s32 s2, s16  }
0x8e: {  	[smem:$0x3FC2] =	sst s2  }
0x8f: {  	_ = 	snop  }
0x90: {  	(tm) =	ssettm $0x1  }
0x91: {  	s17 =	sld [smem:$0x3FFB];
	_ =	sdelay $0x3  }
0x92: {  	_ =	strace s17  }
0x93: {  	s2 =	sld [smem:$0x3FFC];
	_ =	sdelay $0x3  }
0x94: {  	_ =	strace s2  }
0x95: {  	s2 =	sld [smem:$0x3FFD];
	_ =	sdelay $0x3  }
0x96: {  	_ =	strace s2  }
0x97: {  	_ =	strace $0x8FFFFFFF  }
0x98: {  	s18 =	sld [smem:$0x3FDB];
	_ =	sdelay $0x1  }
0x99: {  	s19 =	simm.s32 $_scs_section_size  }
0x9a: {  	s4 =	simm.s32 $_size__tile_overlayer_lowered;
	s5 =	simm.s32 $_tile_overlayer_lowered  }
0x9b: {  	s22 =	simm.s32 $0x1BFF;
	s21 =	sshll.u32 s5, $0x1;
	s2 =	sadd.s32 s19, s18  }
0x9c: {  	s6 =	simm.s32 $0x0;
	s20 =	sshll.u32 s4, $0x1;
	s4 =	sadd.s32 s21, s2  }
0x9d: {  	[timem:s6], [sflag:s22] =	dma.local [hbm:s4], s20  }
0x9e: {  	_ =	swait.ge [sflag:s22], s20  }
0x9f: {  	s3 =	ssub.s32 $0x0, s20;
	[sflag:s22] =	ssyncset.done $0x0  }
0xa0: {  	[sflag:s22] =	ssyncadd.s32 s3;
	_ =	sdelay $0x1  }
0xa1: {  	s23 =	simm.s32 $0x1B8B  }
0xa2: {  	_ =	swait.ge [sflag:s23], $0x1  }
0xa3: {  	[sflag:s23] =	ssyncset.done $0x0  }
0xa4: {  	s25 =	simm.s32 $0x1B8E;
	s24 =	sld [smem:$0x3FFE];
	[sflag:s23] =	ssyncadd.s32 $0xFFFFFFFF  }
0xa5: {  	s26 =	simm.s32 $execute0_lowered;
	[smem:$0x3FD2] =	sst s25  }
0xa6: {  	s4 =	sshll.u32 s26, $0x1;
	_ =	strace $0x80000046;
	[dreg:$0x1] =	wrdreg $0xFFFFFFFF  }
0xa7: {  	s28 =	simm.s32 $_size_execute0_lowered;
	s2 =	sadd.s32 s2, s4;
	[dreg:$0x0] =	wrdreg $0x0  }
0xa8: {  	s4 =	sshll.u32 s28, $0x1;
	[dreg:$0x2] =	wrdreg s2  }
0xa9: {  	[dreg:$0x3] =	wrdreg s4  }
0xaa: {  	[dreg:$0x4] =	wrdreg $0xC0  }
0xab: {  	_ =	task [dreg:s6], $0x5FFFF  }
0xac: {  	[dreg:$0x1] =	wrdreg $0xFFFFFFFF  }
0xad: {  	[dreg:$0x0] =	wrdreg $0x60  }
0xae: {  	[dreg:$0x2] =	wrdreg s24  }
0xaf: {  	[dreg:$0x3] =	wrdreg $0x9  }
0xb0: {  	_ =	task.clear_ibuf [dreg:s6], $0x4FFFF;
	_ =	strace $0x90000046  }
0xb1: {  	s29 =	simm.s32 $0x9;
	_ =	strace $0x80000048  }
0xb2: {  	_ =	swait.ge [sflag:s29], $0x1  }
0xb3: {  	[sflag:s29] =	ssyncadd.s32 $0xFFFFFFFF  }
0xb4: {  	_ =	strace $0x90000048  }
0xb5: {  	_ =	sfence  }
0xb6: {  	s30 =	sld [smem:$0x0];
	_ =	sdelay $0x2  }
0xb7: {  	s31 =	sshll.u32 s1, $0xD;
	s1 =	sshrl.u32 s1, $0x2  }
0xb8: {  	s3 =	sand.u32 $0x4000, s31;
	s1 =	sadd.s32 s1, s30  }
0xb9: {  	s0 =	sor.u32 s3, s0;
	s1 =	sshll.u32 s1, $0x11  }
0xba: {  	s0 =	sor.u32 s1, s0  }
0xbb: {  	s0 =	sadd.s32 $0x8F2B, s0  }
0xbc: {  	[sflag:s0] =	ssyncadd.remote.s32 $0x1  }
0xbd: {  	_ =	sfence.sel $0xFFFF  }
0xbe: {  	[dreg:$0x0] =	wrdreg $0xFFFFFFFF;
	(pc) =	sbr.abs _section_cstart, $3  }
0xbf: {  	[dreg:$0x1] =	wrdreg $0xFFFFFFFF  }
0xc0: {  	_ =	task.clear_ibuf [dreg:s6], $0x2FFFF;
	_ =	strace $0x9FFFFFFF  }
0xc1: {  	(tm) =	ssettm $0x7FFFFFFF  }
tec
execute0_lowered:
.L_overlay_start_1:
0x0: {  	(tag) =	ssettag $0x1  }
0x1: {  	s4 =	rddreg [dreg:$0x0]  }
0x2: {  	s0 =	rddreg [dreg:$0x1]  }
0x3: {  	s3 =	srdreg.scid;
	s1 =	stileid.u32;
	s2 =	simm.s32 $0x0  }
0x4: {  	s15 =	simm.s32 $0x6400;
	s16 =	simm.s32 $0x8400;
	s17 =	simm.s32 $0x100  }
0x5: {  	s18 =	simm.s32 $0xA400;
	s19 =	simm.s32 $0x180;
	s20 =	simm.s32 $0xC400  }
0x6: {  	s21 =	simm.s32 $0x1;
	s22 =	simm.s32 $0x2;
	s10 =	smul.u32 $0x190, s1  }
0x7: {  	s23 =	simm.s32 $0x0;
	s9 =	sand.u32 $0x1, s3;
	s31 =	smul.u32 $0x64000, s1  }
0x8: {  	s28 =	sshll.u32 s1, $0x1;
	[smem:$0x7FF] =	sst s2;
	s12 =	smul.u32 $0xC8, s9  }
0x9: {  	s3 =	sadd.s32 $0xF43600, s4;
	s5 =	sor.u32 s9, s28;
	s13 =	smul.u32 $0x32000, s9  }
0xa: {  	s11 =	sadd.s32 $0x1A000, s4;
	s7 =	ssub.s32 $0x2, s9;
	s6 =	smul.u32 $0xC80, s5  }
0xb: {  	_ =	strace $0x80000047;
	s8 =	smul.u32 $0x32000, s5;
	s30 =	sshrl.u32 s7, $0x1  }
0xc: {  	s10 =	sadd.s32 s12, s10;
	s12 =	sadd.s32 s31, s11;
	s29 =	sadd.s32 s6, s4  }
0xd: {  	s6 =	ssub.s32 s7, s30;
	s10 =	sshll.u32 s10, $0xA;
	s12 =	sadd.s32 s13, s12  }
0xe: {  	s13 =	simm.s32 $0x3;
	s4 =	sadd.s32 $0x1000, s29;
	s5 =	smax.u32 s6, $0x1  }
0xf: {  	s6 =	sadd.s32 s11, s8;
	s14 =	sadd.s32 s10, s11;
	s12 =	sadd.s32 $0x1000, s12  }
0x10: {  	s7 =	sadd.s32 $0x400, s6;
	s8 =	sadd.s32 $0x800, s6;
	s9 =	sadd.s32 $0xC00, s6  }
0x11: {  	s10 =	sadd.s32 $0x1C00, s14;
	s11 =	sadd.s32 $0x1800, s14;
	s14 =	simm.s32 $0x80  }
.LBB2_1:
0x12: {  	[tilespmem:s2], [sflag:$0x3] =	stream.linear.gather [hbm4b:s4+s2], $0x6400, $0x38;
	[tilespmem:$0xE400] =	vst v63  }
0x13: {  	_ =	swait.ge [sflag:s13], $0x6400  }
0x14: {  	[sflag:s13] =	ssyncset.done $0x0  }
0x15: {  	[sflag:s13] =	ssyncadd.s32 $0xFFFF9C00  }
0x16: {  	[tilespmem:s15], [sflag:$0x1] =	stream.indirect.gather [hbm4b:s3+s14], $0x40, s2, s14, $0xb8;
	[tilespmem:$0xE400] =	vst v63  }
0x17: {  	_ = 	snop  }
0x18: {  	[tilespmem:s16], [sflag:$0x1] =	stream.indirect.gather [hbm4b:s3+s14], $0x40, s14, s14, $0xb8;
	[tilespmem:$0xE400] =	vst v63  }
0x19: {  	_ = 	snop  }
0x1a: {  	[tilespmem:s18], [sflag:$0x1] =	stream.indirect.gather [hbm4b:s3+s14], $0x40, s17, s14, $0xb8;
	[tilespmem:$0xE400] =	vst v63  }
0x1b: {  	_ = 	snop  }
0x1c: {  	[tilespmem:s20], [sflag:$0x1] =	stream.indirect.gather [hbm4b:s3+s14], $0x40, s19, s14, $0xb8;
	[tilespmem:$0xE400] =	vst v63  }
0x1d: {  	_ =	swait.ge [sflag:s21], $0x2000  }
0x1e: {  	[sflag:s21] =	ssyncset.done $0x0  }
0x1f: {  	[sflag:s21] =	ssyncadd.s32 $0xFFFFE000  }
0x20: {  	_ =	swait.ge [sflag:s21], $0x2000  }
0x21: {  	[sflag:s21] =	ssyncset.done $0x0  }
0x22: {  	[sflag:s21] =	ssyncadd.s32 $0xFFFFE000  }
0x23: {  	_ =	swait.ge [sflag:s21], $0x2000  }
0x24: {  	[sflag:s21] =	ssyncset.done $0x0  }
0x25: {  	[sflag:s21] =	ssyncadd.s32 $0xFFFFE000  }
0x26: {  	_ =	swait.ge [sflag:s21], $0x2000  }
0x27: {  	[sflag:s21] =	ssyncset.done $0x0  }
0x28: {  	[sflag:s21] =	ssyncadd.s32 $0xFFFFE000  }
0x29: {  	[hbm4b:s6+s2] =	stream.linear.scatter [tilespmem:s15], [sflag:$0x2], $0x2000, $0x38;
	[tilespmem:$0xE400] =	vst v63  }
0x2a: {  	_ = 	snop  }
0x2b: {  	[hbm4b:s7+s2] =	stream.linear.scatter [tilespmem:s16], [sflag:$0x2], $0x2000, $0x38;
	[tilespmem:$0xE400] =	vst v63  }
0x2c: {  	_ = 	snop  }
0x2d: {  	[hbm4b:s8+s2] =	stream.linear.scatter [tilespmem:s18], [sflag:$0x2], $0x2000, $0x38;
	[tilespmem:$0xE400] =	vst v63  }
0x2e: {  	_ = 	snop  }
0x2f: {  	[hbm4b:s9+s2] =	stream.linear.scatter [tilespmem:s20], [sflag:$0x2], $0x2000, $0x38;
	[tilespmem:$0xE400] =	vst v63  }
0x30: {  	_ =	swait.ge [sflag:s22], $0x2000  }
0x31: {  	[sflag:s22] =	ssyncset.done $0x0  }
0x32: {  	[sflag:s22] =	ssyncadd.s32 $0xFFFFE000  }
0x33: {  	_ =	swait.ge [sflag:s22], $0x2000  }
0x34: {  	[sflag:s22] =	ssyncset.done $0x0  }
0x35: {  	[sflag:s22] =	ssyncadd.s32 $0xFFFFE000  }
0x36: {  	_ =	swait.ge [sflag:s22], $0x2000  }
0x37: {  	[sflag:s22] =	ssyncset.done $0x0  }
0x38: {  	[sflag:s22] =	ssyncadd.s32 $0xFFFFE000  }
0x39: {  	_ =	swait.ge [sflag:s22], $0x2000  }
0x3a: {  	[sflag:s22] =	ssyncset.done $0x0  }
0x3b: {  	s24 =	simm.s32 $0x200;
	[sflag:s22] =	ssyncadd.s32 $0xFFFFE000  }
0x3c: {  	[tilespmem:s15], [sflag:$0x1] =	stream.indirect.gather [hbm4b:s3+s14], $0x40, s24, s14, $0xb8;
	[tilespmem:$0xE400] =	vst v63  }
0x3d: {  	s25 =	simm.s32 $0x280  }
0x3e: {  	[tilespmem:s16], [sflag:$0x1] =	stream.indirect.gather [hbm4b:s3+s14], $0x40, s25, s14, $0xb8;
	[tilespmem:$0xE400] =	vst v63  }
0x3f: {  	s26 =	simm.s32 $0x300  }
0x40: {  	[tilespmem:s18], [sflag:$0x1] =	stream.indirect.gather [hbm4b:s3+s14], $0x40, s26, s14, $0xb8;
	[tilespmem:$0xE400] =	vst v63  }
0x41: {  	s30 =	simm.s32 $0x380  }
0x42: {  	[tilespmem:s20], [sflag:$0x1] =	stream.indirect.gather [hbm4b:s3+s14], $0x40, s30, s14, $0xb8;
	[tilespmem:$0xE400] =	vst v63  }
0x43: {  	_ =	swait.ge [sflag:s21], $0x2000  }
0x44: {  	[sflag:s21] =	ssyncset.done $0x0  }
0x45: {  	[sflag:s21] =	ssyncadd.s32 $0xFFFFE000  }
0x46: {  	_ =	swait.ge [sflag:s21], $0x2000  }
0x47: {  	[sflag:s21] =	ssyncset.done $0x0  }
0x48: {  	[sflag:s21] =	ssyncadd.s32 $0xFFFFE000  }
0x49: {  	_ =	swait.ge [sflag:s21], $0x2000  }
0x4a: {  	[sflag:s21] =	ssyncset.done $0x0  }
0x4b: {  	[sflag:s21] =	ssyncadd.s32 $0xFFFFE000  }
0x4c: {  	_ =	swait.ge [sflag:s21], $0x2000  }
0x4d: {  	[sflag:s21] =	ssyncset.done $0x0  }
0x4e: {  	[sflag:s21] =	ssyncadd.s32 $0xFFFFE000  }
0x4f: {  	[hbm4b:s12+s2] =	stream.linear.scatter [tilespmem:s15], [sflag:$0x2], $0x2000, $0x38;
	[tilespmem:$0xE400] =	vst v63  }
0x50: {  	s31 =	sadd.s32 $0xFFFFF800, s10;
	s28 =	sadd.s32 $0x1000, s12;
	s29 =	smov.u32 s10  }
0x51: {  	[hbm4b:s31+s2] =	stream.linear.scatter [tilespmem:s16], [sflag:$0x2], $0x2000, $0x38;
	[tilespmem:$0xE400] =	vst v63  }
0x52: {  	s24 =	simm.s32 $0x800;
	s25 =	sadd.s32 $0x1000, s10;
	s26 =	sadd.s32 $0x1000, s11  }
0x53: {  	[hbm4b:s11+s2] =	stream.linear.scatter [tilespmem:s18], [sflag:$0x2], $0x2000, $0x38;
	[tilespmem:$0xE400] =	vst v63  }
.LBB2_2:
0x54: {  	[hbm4b:s29+s2] =	stream.linear.scatter [tilespmem:s20], [sflag:$0x2], $0x2000, $0x38;
	[tilespmem:$0xE400] =	vst v63  }
0x55: {  	s30 =	smov.u32 s24;
	s29 =	smov.u32 s25  }
0x56: {  	p0 =	sne.s32 s24, $0x18000;
	s24 =	sadd.s32 $0x800, s24;
	_ =	swait.ge [sflag:s22], $0x2000  }
0x57: {  	[sflag:s22] =	ssyncset.done $0x0  }
0x58: {  	[sflag:s22] =	ssyncadd.s32 $0xFFFFE000  }
0x59: {  	_ =	swait.ge [sflag:s22], $0x2000  }
0x5a: {  	[sflag:s22] =	ssyncset.done $0x0  }
0x5b: {  	[sflag:s22] =	ssyncadd.s32 $0xFFFFE000  }
0x5c: {  	_ =	swait.ge [sflag:s22], $0x2000  }
0x5d: {  	[sflag:s22] =	ssyncset.done $0x0  }
0x5e: {  	[sflag:s22] =	ssyncadd.s32 $0xFFFFE000  }
0x5f: {  	_ =	swait.ge [sflag:s22], $0x2000  }
0x60: {  	s30 =	sshra.s32 s30, $0x2;
	[sflag:s22] =	ssyncset.done $0x0  }
0x61: {  	s31 =	sadd.s32 $0x200, s30;
	[sflag:s22] =	ssyncadd.s32 $0xFFFFE000  }
0x62: {  	[tilespmem:s15], [sflag:$0x1] =	stream.indirect.gather [hbm4b:s3+s14], $0x40, s31, s14, $0xb8;
	[tilespmem:$0xE400] =	vst v63  }
0x63: {  	s31 =	sadd.s32 $0x280, s30  }
0x64: {  	[tilespmem:s16], [sflag:$0x1] =	stream.indirect.gather [hbm4b:s3+s14], $0x40, s31, s14, $0xb8;
	[tilespmem:$0xE400] =	vst v63  }
0x65: {  	s31 =	sadd.s32 $0x300, s30  }
0x66: {  	[tilespmem:s18], [sflag:$0x1] =	stream.indirect.gather [hbm4b:s3+s14], $0x40, s31, s14, $0xb8;
	[tilespmem:$0xE400] =	vst v63  }
0x67: {  	s30 =	sadd.s32 $0x380, s30  }
0x68: {  	[tilespmem:s20], [sflag:$0x1] =	stream.indirect.gather [hbm4b:s3+s14], $0x40, s30, s14, $0xb8;
	[tilespmem:$0xE400] =	vst v63  }
0x69: {  	_ =	swait.ge [sflag:s21], $0x2000  }
0x6a: {  	[sflag:s21] =	ssyncset.done $0x0  }
0x6b: {  	[sflag:s21] =	ssyncadd.s32 $0xFFFFE000  }
0x6c: {  	_ =	swait.ge [sflag:s21], $0x2000  }
0x6d: {  	[sflag:s21] =	ssyncset.done $0x0  }
0x6e: {  	[sflag:s21] =	ssyncadd.s32 $0xFFFFE000  }
0x6f: {  	_ =	swait.ge [sflag:s21], $0x2000  }
0x70: {  	[sflag:s21] =	ssyncset.done $0x0  }
0x71: {  	[sflag:s21] =	ssyncadd.s32 $0xFFFFE000  }
0x72: {  	_ =	swait.ge [sflag:s21], $0x2000  }
0x73: {  	[sflag:s21] =	ssyncset.done $0x0  }
0x74: {  	[sflag:s21] =	ssyncadd.s32 $0xFFFFE000  }
0x75: {  	[hbm4b:s28+s2] =	stream.linear.scatter [tilespmem:s15], [sflag:$0x2], $0x2000, $0x38;
	[tilespmem:$0xE400] =	vst v63  }
.Ltmp0:
0x76: {  	s30 =	sadd.s32 $0xFFFFF800, s25;
	(pc) =	sbr.rel @p0 .LBB2_2-.Ltmp0, $4  }
0x77: {  	[hbm4b:s30+s2] =	stream.linear.scatter [tilespmem:s16], [sflag:$0x2], $0x2000, $0x38;
	[tilespmem:$0xE400] =	vst v63  }
0x78: {  	_ = 	snop  }
0x79: {  	[hbm4b:s26+s2] =	stream.linear.scatter [tilespmem:s18], [sflag:$0x2], $0x2000, $0x38;
	[tilespmem:$0xE400] =	vst v63  }
0x7a: {  	s25 =	sadd.s32 $0x1000, s25;
	s28 =	sadd.s32 $0x1000, s28;
	s26 =	sadd.s32 $0x1000, s26  }
0x7b: {  	[hbm4b:s29+s2] =	stream.linear.scatter [tilespmem:s20], [sflag:$0x2], $0x2000, $0x38;
	[tilespmem:$0xE400] =	vst v63  }
0x7c: {  	_ =	swait.ge [sflag:s22], $0x2000  }
0x7d: {  	[sflag:s22] =	ssyncset.done $0x0  }
0x7e: {  	[sflag:s22] =	ssyncadd.s32 $0xFFFFE000  }
0x7f: {  	_ =	swait.ge [sflag:s22], $0x2000  }
0x80: {  	[sflag:s22] =	ssyncset.done $0x0  }
0x81: {  	s23 =	sadd.s32 $0x1, s23;
	[sflag:s22] =	ssyncadd.s32 $0xFFFFE000  }
0x82: {  	p0 =	sne.s32 s23, s5;
	_ =	swait.ge [sflag:s22], $0x2000  }
.Ltmp1:
0x83: {  	[sflag:s22] =	ssyncset.done $0x0;
	(pc) =	sbr.rel @p0 .LBB2_1-.Ltmp1, $4  }
0x84: {  	[sflag:s22] =	ssyncadd.s32 $0xFFFFE000  }
0x85: {  	_ =	swait.ge [sflag:s22], $0x2000  }
0x86: {  	[sflag:s22] =	ssyncset.done $0x0  }
0x87: {  	[sflag:s22] =	ssyncadd.s32 $0xFFFFE000  }
0x88: {  	_ =	sfence.sel $0x180000  }
0x89: {  	[bflag:$0x0] =	sbarrier.arrive $0xFFFF  }
0x8a: {  	p0 =	sne.s32 s1, $0x0;
	_ =	strace $0x90000047  }
0x8b: {  	s0 =	sadd.s32 @!p0 $0x100000, s0;
	[bflag:$0x2] =	sbarrier.arrive $0xFFFF  }
0x8c: {  	[sflag:s0] =	ssyncadd.tile.s32 @!p0 $0x1;
	_ =	shalt  }
.Lfunc_end2:
_tile_overlayer_lowered:
.L_overlay_start_2:
0x8d: {  	(tag) =	ssettag $0x2  }
0x8e: {  	s0 =	rddreg [dreg:$0x0];
	s2 =	stileid.u32  }
0x8f: {  	s1 =	rddreg [dreg:$0x1];
	p0 =	sne.s32 s2, $0x0  }
0x90: {  	s3 =	rddreg [dreg:$0x2];
	[bflag:$0x3] =	sbarrier.arrive $0xFFFF;
	s2 =	simm.s32 @!p0 $0x1C03  }
0x91: {  	[timem:s3], [sflag:s2] =	dma.local @!p0 [hbm:s0], s1  }
0x92: {  	s0 =	simm.s32 @!p0 $0x3  }
0x93: {  	_ =	swait.ge @!p0 [sflag:s0], s1  }
0x94: {  	s1 =	ssub.s32 @!p0 $0x0, s1;
	[sflag:s0] =	ssyncset.done @!p0 $0x0  }
0x95: {  	[sflag:s0] =	ssyncadd.s32 @!p0 s1  }
0x96: {  	[bflag:$0x3] =	sbarrier.arrive $0xFFFF  }
0x97: {  	_ =	shalt  }

</sc_bundles>
